<compile_context>
chip_gen: v7x
topology: tpu7x:2x2x1
jax: 0.10.2.dev20260603
libtpu: 0.0.44.dev20260713+nightly
codegen_flags: <defaults>
</compile_context>

<pallas_src>
import functools

import jax
import jax.numpy as jnp
from jax import lax
from jax.experimental import pallas as pl
from jax.experimental.pallas import tpu as pltpu
from jax.experimental.pallas import tpu_sc as plsc

_NBUF = 4
_CHUNK = 40


@functools.cache
def _make_lookup(B, V, D, NC, NS):
    NW = NC * NS
    b_per_w = B // NW
    C = _CHUNK
    NB = _NBUF
    n_chunks = b_per_w // C
    n_groups = n_chunks // NB
    mesh = plsc.VectorSubcoreMesh(core_axis_name="c", subcore_axis_name="s")

    scratch = (
        [pltpu.VMEM((C,), jnp.int32) for _ in range(NB)]
        + [pltpu.VMEM((C, D), jnp.float32) for _ in range(NB)]
        + [pltpu.SemaphoreType.DMA for _ in range(3 * NB)]
    )

    @functools.partial(
        pl.kernel,
        out_type=jax.ShapeDtypeStruct((B, D), jnp.float32),
        mesh=mesh,
        scratch_types=scratch,
    )
    def lookup(idx_hbm, table_hbm, out_hbm, *scr):
        ibufs = scr[:NB]
        bufs = scr[NB:2 * NB]
        isems = scr[2 * NB:3 * NB]
        gsems = scr[3 * NB:4 * NB]
        ssems = scr[4 * NB:5 * NB]

        wid = lax.axis_index("s") * NC + lax.axis_index("c")

        def chunk_off(i):
            return (wid + i * NW) * C

        def idx_load(i, b):
            pltpu.async_copy(
                idx_hbm.at[pl.ds(chunk_off(i), C)], ibufs[b], isems[b])

        def wait_idx(b):
            pltpu.make_async_copy(
                idx_hbm.at[pl.ds(0, C)], ibufs[b], isems[b]).wait()

        def gather(b):
            pltpu.async_copy(table_hbm.at[ibufs[b]], bufs[b], gsems[b])

        def wait_gather(b):
            pltpu.make_async_copy(
                table_hbm.at[ibufs[b]], bufs[b], gsems[b]).wait()

        def store(i, b):
            pltpu.async_copy(
                bufs[b], out_hbm.at[pl.ds(chunk_off(i), C)], ssems[b])

        def wait_store(b):
            pltpu.make_async_copy(
                bufs[b], out_hbm.at[pl.ds(0, C)], ssems[b]).wait()

        for b in range(NB):
            idx_load(b, b)
        wait_idx(0)
        gather(0)

        def body(j, carry):
            for b in range(NB):
                i = j * NB + b
                nb = (b + 1) % NB

                @pl.when(i >= NB - 1)
                def _():
                    wait_store(nb)

                @pl.when(i + 1 < n_chunks)
                def _():
                    wait_idx(nb)
                    gather(nb)

                wait_gather(b)

                @pl.when(i + NB < n_chunks)
                def _():
                    idx_load(i + NB, b)

                store(i, b)
            return carry

        lax.fori_loop(0, n_groups, body, 0)
        for k in range(1, NB):
            wait_store((n_chunks - NB + k) % NB)

    return lookup


def kernel(x, table):
    Bt, L = x.shape
    V, D = table.shape
    B = Bt * L
    info = plsc.get_sparse_core_info()
    lookup = _make_lookup(B, V, D, info.num_cores, info.num_subcores)
    out = lookup(x.reshape(B), table)
    return out.reshape(Bt, L, D)

# --- scband reference (transcript-rebuilt; emitter-appended) ---
"""Pipeline reference for scband-word-embedding-27479200760016 (READ-ONLY COPY).

The authoritative reference and input builder live on the scoring server;
editing this copy changes nothing except your own understanding.
"""

import jax, jax.numpy as jnp
import numpy as np

VOCAB = 30522
DIM = 768

def setup_inputs(seed: int = 0) -> dict:
    key = jax.random.key(seed)
    k_idx, k_tab = jax.random.split(key)
    x = jax.random.randint(k_idx, (4096, 200), 0, VOCAB, dtype=jnp.int64 if jax.config.read('jax_enable_x64') else jnp.int32).astype(jnp.int32)
    table = jax.random.normal(k_tab, (VOCAB, DIM), dtype=jnp.float32) * 0.02
    return {"x": x, "table": table}

def reference(x, table):
    # nn.Embedding lookup: output[b, l, :] = table[x[b, l], :]
    output = jnp.take(table, x, axis=0)
    return output

if __name__ == "__main__":
    import jax
    _d = setup_inputs()
    print(jax.jit(kernel)(*tuple(_d.values())))

</pallas_src>

<mosaic_0001>
#map = affine_map<(d0, d1) -> (0)>
#map1 = affine_map<(d0, d1) -> (0, 0)>
module attributes {stable_mosaic.version = 14 : i64} {
  func.func @lookup(%arg0: i32, %arg1: i32, %arg2: memref<819200xi32, #tpu.memory_space<hbm>>, %arg3: memref<30522x768xf32, #tpu.memory_space<hbm>>, %arg4: memref<819200x768xf32, #tpu.memory_space<hbm>>, %arg5: memref<40xi32, #tpu.memory_space<vmem>>, %arg6: memref<40xi32, #tpu.memory_space<vmem>>, %arg7: memref<40xi32, #tpu.memory_space<vmem>>, %arg8: memref<40xi32, #tpu.memory_space<vmem>>, %arg9: memref<40x768xf32, #tpu.memory_space<vmem>>, %arg10: memref<40x768xf32, #tpu.memory_space<vmem>>, %arg11: memref<40x768xf32, #tpu.memory_space<vmem>>, %arg12: memref<40x768xf32, #tpu.memory_space<vmem>>, %arg13: memref<!tpu.dma_semaphore, #tpu.memory_space<semaphore_mem>>, %arg14: memref<!tpu.dma_semaphore, #tpu.memory_space<semaphore_mem>>, %arg15: memref<!tpu.dma_semaphore, #tpu.memory_space<semaphore_mem>>, %arg16: memref<!tpu.dma_semaphore, #tpu.memory_space<semaphore_mem>>, %arg17: memref<!tpu.dma_semaphore, #tpu.memory_space<semaphore_mem>>, %arg18: memref<!tpu.dma_semaphore, #tpu.memory_space<semaphore_mem>>, %arg19: memref<!tpu.dma_semaphore, #tpu.memory_space<semaphore_mem>>, %arg20: memref<!tpu.dma_semaphore, #tpu.memory_space<semaphore_mem>>, %arg21: memref<!tpu.dma_semaphore, #tpu.memory_space<semaphore_mem>>, %arg22: memref<!tpu.dma_semaphore, #tpu.memory_space<semaphore_mem>>, %arg23: memref<!tpu.dma_semaphore, #tpu.memory_space<semaphore_mem>>, %arg24: memref<!tpu.dma_semaphore, #tpu.memory_space<semaphore_mem>>) attributes {dimension_semantics = [#tpu.dimension_semantics<core_parallel>, #tpu.dimension_semantics<subcore_parallel>], iteration_bounds = array<i64: 2, 16>, scalar_prefetch = 0 : i64, scratch_operands = 20 : i64, tpu.core_type = #tpu.core_type<sc_vector_subcore>, window_params = [{transform_indices = #map}, {transform_indices = #map1}, {transform_indices = #map1}]} {
    %mul3A = arith.constant 2 : i32
    %mul3A_0 = arith.muli %arg1, %mul3A : i32
    %add3A = arith.addi %mul3A_0, %arg0 : i32
    %add3A_1 = arith.constant 0 : i32
    %add3A_2 = arith.addi %add3A, %add3A_1 : i32
    %mul3A_3 = arith.constant 40 : i32
    %mul3A_4 = arith.muli %add3A_2, %mul3A_3 : i32
    %dma_start3A = tpu.memref_slice %arg2[%mul3A_4] : memref<819200xi32, #tpu.memory_space<hbm>> -> memref<40xi32, #tpu.memory_space<hbm>>
    %dma_start3A_5 = tpu.memref_slice %arg2[%mul3A_4] : memref<819200xi32, #tpu.memory_space<hbm>> -> memref<40xi32, #tpu.memory_space<hbm>>
    tpu.enqueue_dma source(%dma_start3A_5 : memref<40xi32, #tpu.memory_space<hbm>>) target(%arg5 : memref<40xi32, #tpu.memory_space<vmem>>) target_semaphore(%arg13 : memref<!tpu.dma_semaphore, #tpu.memory_space<semaphore_mem>>)
    %add3A_6 = arith.constant 32 : i32
    %add3A_7 = arith.addi %add3A, %add3A_6 : i32
    %mul3A_8 = arith.constant 40 : i32
    %mul3A_9 = arith.muli %add3A_7, %mul3A_8 : i32
    %dma_start3A_10 = tpu.memref_slice %arg2[%mul3A_9] : memref<819200xi32, #tpu.memory_space<hbm>> -> memref<40xi32, #tpu.memory_space<hbm>>
    %dma_start3A_11 = tpu.memref_slice %arg2[%mul3A_9] : memref<819200xi32, #tpu.memory_space<hbm>> -> memref<40xi32, #tpu.memory_space<hbm>>
    tpu.enqueue_dma source(%dma_start3A_11 : memref<40xi32, #tpu.memory_space<hbm>>) target(%arg6 : memref<40xi32, #tpu.memory_space<vmem>>) target_semaphore(%arg14 : memref<!tpu.dma_semaphore, #tpu.memory_space<semaphore_mem>>)
    %add3A_12 = arith.constant 64 : i32
    %add3A_13 = arith.addi %add3A, %add3A_12 : i32
    %mul3A_14 = arith.constant 40 : i32
    %mul3A_15 = arith.muli %add3A_13, %mul3A_14 : i32
    %dma_start3A_16 = tpu.memref_slice %arg2[%mul3A_15] : memref<819200xi32, #tpu.memory_space<hbm>> -> memref<40xi32, #tpu.memory_space<hbm>>
    %dma_start3A_17 = tpu.memref_slice %arg2[%mul3A_15] : memref<819200xi32, #tpu.memory_space<hbm>> -> memref<40xi32, #tpu.memory_space<hbm>>
    tpu.enqueue_dma source(%dma_start3A_17 : memref<40xi32, #tpu.memory_space<hbm>>) target(%arg7 : memref<40xi32, #tpu.memory_space<vmem>>) target_semaphore(%arg15 : memref<!tpu.dma_semaphore, #tpu.memory_space<semaphore_mem>>)
    %add3A_18 = arith.constant 96 : i32
    %add3A_19 = arith.addi %add3A, %add3A_18 : i32
    %mul3A_20 = arith.constant 40 : i32
    %mul3A_21 = arith.muli %add3A_19, %mul3A_20 : i32
    %dma_start3A_22 = tpu.memref_slice %arg2[%mul3A_21] : memref<819200xi32, #tpu.memory_space<hbm>> -> memref<40xi32, #tpu.memory_space<hbm>>
    %dma_start3A_23 = tpu.memref_slice %arg2[%mul3A_21] : memref<819200xi32, #tpu.memory_space<hbm>> -> memref<40xi32, #tpu.memory_space<hbm>>
    tpu.enqueue_dma source(%dma_start3A_23 : memref<40xi32, #tpu.memory_space<hbm>>) target(%arg8 : memref<40xi32, #tpu.memory_space<vmem>>) target_semaphore(%arg16 : memref<!tpu.dma_semaphore, #tpu.memory_space<semaphore_mem>>)
    %dma_wait3A = arith.constant 0 : i32
    %dma_wait3A_24 = tpu.memref_slice %arg2[%dma_wait3A] : memref<819200xi32, #tpu.memory_space<hbm>> -> memref<40xi32, #tpu.memory_space<hbm>>
    %dma_wait3A_25 = arith.constant 0 : i32
    %dma_wait3A_26 = tpu.memref_slice %arg2[%dma_wait3A_25] : memref<819200xi32, #tpu.memory_space<hbm>> -> memref<40xi32, #tpu.memory_space<hbm>>
    tpu.wait_dma2 semaphore(%arg13 : memref<!tpu.dma_semaphore, #tpu.memory_space<semaphore_mem>>) src(%dma_wait3A_26 : memref<40xi32, #tpu.memory_space<hbm>>) dst(%arg5 : memref<40xi32, #tpu.memory_space<vmem>>)
    %dma_start3A_27 = arith.constant 0 : i32
    %dma_start3A_28 = arith.constant 0 : i32
    %dma_start3A_29 = tpu.memref_slice %arg3[%dma_start3A_27, %dma_start3A_28] : memref<30522x768xf32, #tpu.memory_space<hbm>> -> memref<30522x768xf32, #tpu.memory_space<hbm>>
    tpu.enqueue_indirect_dma source(%dma_start3A_29 : memref<30522x768xf32, #tpu.memory_space<hbm>>) target(%arg9 : memref<40x768xf32, #tpu.memory_space<vmem>>) offsets(%arg5 : memref<40xi32, #tpu.memory_space<vmem>>) semaphore(%arg17 : memref<!tpu.dma_semaphore, #tpu.memory_space<semaphore_mem>>)
    %scan3A = arith.constant 0 : i32
    %scan3A_30 = arith.constant 0 : i32
    %scan3A_31 = arith.constant 160 : i32
    %scan3A_32 = arith.addi %scan3A_30, %scan3A_31 : i32
    %scan3A_33 = arith.constant 1 : i32
    scf.for %scan3A_53 = %scan3A_30 to %scan3A_32 step %scan3A_33  : i32 {
      %mul3A_54 = arith.constant 4 : i32
      %mul3A_55 = arith.muli %scan3A_53, %mul3A_54 : i32
      %add3A_56 = arith.constant 0 : i32
      %add3A_57 = arith.addi %mul3A_55, %add3A_56 : i32
      %ge3A = arith.constant 3 : i32
      %ge3A_58 = arith.cmpi sge, %add3A_57, %ge3A : i32
      %convert_element_type3A = arith.extui %ge3A_58 : i1 to i32
      %cond3A = arith.constant 0 : i32
      %cond3A_59 = arith.cmpi ne, %convert_element_type3A, %cond3A : i32
      scf.if %cond3A_59 {
        %dma_wait3A_190 = arith.constant 0 : i32
        %dma_wait3A_191 = arith.constant 0 : i32
        %dma_wait3A_192 = tpu.memref_slice %arg4[%dma_wait3A_190, %dma_wait3A_191] : memref<819200x768xf32, #tpu.memory_space<hbm>> -> memref<40x768xf32, #tpu.memory_space<hbm>>
        %dma_wait3A_193 = arith.constant 0 : i32
        %dma_wait3A_194 = arith.constant 0 : i32
        %dma_wait3A_195 = tpu.memref_slice %arg4[%dma_wait3A_193, %dma_wait3A_194] : memref<819200x768xf32, #tpu.memory_space<hbm>> -> memref<40x768xf32, #tpu.memory_space<hbm>>
        tpu.wait_dma2 semaphore(%arg22 : memref<!tpu.dma_semaphore, #tpu.memory_space<semaphore_mem>>) src(%arg10 : memref<40x768xf32, #tpu.memory_space<vmem>>) dst(%dma_wait3A_195 : memref<40x768xf32, #tpu.memory_space<hbm>>)
      } else {
      }
      %add3A_60 = arith.constant 1 : i32
      %add3A_61 = arith.addi %add3A_57, %add3A_60 : i32
      %lt3A = arith.constant 640 : i32
      %lt3A_62 = arith.cmpi slt, %add3A_61, %lt3A : i32
      %convert_element_type3A_63 = arith.extui %lt3A_62 : i1 to i32
      %cond3A_64 = arith.constant 0 : i32
      %cond3A_65 = arith.cmpi ne, %convert_element_type3A_63, %cond3A_64 : i32
      scf.if %cond3A_65 {
        %dma_wait3A_190 = arith.constant 0 : i32
        %dma_wait3A_191 = tpu.memref_slice %arg2[%dma_wait3A_190] : memref<819200xi32, #tpu.memory_space<hbm>> -> memref<40xi32, #tpu.memory_space<hbm>>
        %dma_wait3A_192 = arith.constant 0 : i32
        %dma_wait3A_193 = tpu.memref_slice %arg2[%dma_wait3A_192] : memref<819200xi32, #tpu.memory_space<hbm>> -> memref<40xi32, #tpu.memory_space<hbm>>
        tpu.wait_dma2 semaphore(%arg14 : memref<!tpu.dma_semaphore, #tpu.memory_space<semaphore_mem>>) src(%dma_wait3A_193 : memref<40xi32, #tpu.memory_space<hbm>>) dst(%arg6 : memref<40xi32, #tpu.memory_space<vmem>>)
        %dma_start3A_194 = arith.constant 0 : i32
        %dma_start3A_195 = arith.constant 0 : i32
        %dma_start3A_196 = tpu.memref_slice %arg3[%dma_start3A_194, %dma_start3A_195] : memref<30522x768xf32, #tpu.memory_space<hbm>> -> memref<30522x768xf32, #tpu.memory_space<hbm>>
        tpu.enqueue_indirect_dma source(%dma_start3A_196 : memref<30522x768xf32, #tpu.memory_space<hbm>>) target(%arg10 : memref<40x768xf32, #tpu.memory_space<vmem>>) offsets(%arg6 : memref<40xi32, #tpu.memory_space<vmem>>) semaphore(%arg18 : memref<!tpu.dma_semaphore, #tpu.memory_space<semaphore_mem>>)
      } else {
      }
      %dma_wait3A_66 = arith.constant 0 : i32
      %dma_wait3A_67 = arith.constant 0 : i32
      %dma_wait3A_68 = tpu.memref_slice %arg3[%dma_wait3A_66, %dma_wait3A_67] : memref<30522x768xf32, #tpu.memory_space<hbm>> -> memref<30522x768xf32, #tpu.memory_space<hbm>>
      tpu.wait_indirect_dma semaphore(%arg17 : memref<!tpu.dma_semaphore, #tpu.memory_space<semaphore_mem>>) src(%dma_wait3A_68 : memref<30522x768xf32, #tpu.memory_space<hbm>>) dst(%arg9 : memref<40x768xf32, #tpu.memory_space<vmem>>)
      %add3A_69 = arith.constant 4 : i32
      %add3A_70 = arith.addi %add3A_57, %add3A_69 : i32
      %lt3A_71 = arith.constant 640 : i32
      %lt3A_72 = arith.cmpi slt, %add3A_70, %lt3A_71 : i32
      %convert_element_type3A_73 = arith.extui %lt3A_72 : i1 to i32
      %cond3A_74 = arith.constant 0 : i32
      %cond3A_75 = arith.cmpi ne, %convert_element_type3A_73, %cond3A_74 : i32
      scf.if %cond3A_75 {
        %add3A_190 = arith.constant 4 : i32
        %add3A_191 = arith.addi %add3A_57, %add3A_190 : i32
        %mul3A_192 = arith.constant 32 : i32
        %mul3A_193 = arith.muli %add3A_191, %mul3A_192 : i32
        %add3A_194 = arith.addi %add3A, %mul3A_193 : i32
        %mul3A_195 = arith.constant 40 : i32
        %mul3A_196 = arith.muli %add3A_194, %mul3A_195 : i32
        %dma_start3A_197 = tpu.memref_slice %arg2[%mul3A_196] : memref<819200xi32, #tpu.memory_space<hbm>> -> memref<40xi32, #tpu.memory_space<hbm>>
        %dma_start3A_198 = tpu.memref_slice %arg2[%mul3A_196] : memref<819200xi32, #tpu.memory_space<hbm>> -> memref<40xi32, #tpu.memory_space<hbm>>
        tpu.enqueue_dma source(%dma_start3A_198 : memref<40xi32, #tpu.memory_space<hbm>>) target(%arg5 : memref<40xi32, #tpu.memory_space<vmem>>) target_semaphore(%arg13 : memref<!tpu.dma_semaphore, #tpu.memory_space<semaphore_mem>>)
      } else {
      }
      %mul3A_76 = arith.constant 32 : i32
      %mul3A_77 = arith.muli %add3A_57, %mul3A_76 : i32
      %add3A_78 = arith.addi %add3A, %mul3A_77 : i32
      %mul3A_79 = arith.constant 40 : i32
      %mul3A_80 = arith.muli %add3A_78, %mul3A_79 : i32
      %dma_start3A_81 = arith.constant 0 : i32
      %dma_start3A_82 = tpu.memref_slice %arg4[%mul3A_80, %dma_start3A_81] : memref<819200x768xf32, #tpu.memory_space<hbm>> -> memref<40x768xf32, #tpu.memory_space<hbm>>
      %dma_start3A_83 = arith.constant 0 : i32
      %dma_start3A_84 = tpu.memref_slice %arg4[%mul3A_80, %dma_start3A_83] : memref<819200x768xf32, #tpu.memory_space<hbm>> -> memref<40x768xf32, #tpu.memory_space<hbm>>
      tpu.enqueue_dma source(%arg9 : memref<40x768xf32, #tpu.memory_space<vmem>>) target(%dma_start3A_84 : memref<40x768xf32, #tpu.memory_space<hbm>>) target_semaphore(%arg21 : memref<!tpu.dma_semaphore, #tpu.memory_space<semaphore_mem>>)
      %mul3A_85 = arith.constant 4 : i32
      %mul3A_86 = arith.muli %scan3A_53, %mul3A_85 : i32
      %add3A_87 = arith.constant 1 : i32
      %add3A_88 = arith.addi %mul3A_86, %add3A_87 : i32
      %ge3A_89 = arith.constant 3 : i32
      %ge3A_90 = arith.cmpi sge, %add3A_88, %ge3A_89 : i32
      %convert_element_type3A_91 = arith.extui %ge3A_90 : i1 to i32
      %cond3A_92 = arith.constant 0 : i32
      %cond3A_93 = arith.cmpi ne, %convert_element_type3A_91, %cond3A_92 : i32
      scf.if %cond3A_93 {
        %dma_wait3A_190 = arith.constant 0 : i32
        %dma_wait3A_191 = arith.constant 0 : i32
        %dma_wait3A_192 = tpu.memref_slice %arg4[%dma_wait3A_190, %dma_wait3A_191] : memref<819200x768xf32, #tpu.memory_space<hbm>> -> memref<40x768xf32, #tpu.memory_space<hbm>>
        %dma_wait3A_193 = arith.constant 0 : i32
        %dma_wait3A_194 = arith.constant 0 : i32
        %dma_wait3A_195 = tpu.memref_slice %arg4[%dma_wait3A_193, %dma_wait3A_194] : memref<819200x768xf32, #tpu.memory_space<hbm>> -> memref<40x768xf32, #tpu.memory_space<hbm>>
        tpu.wait_dma2 semaphore(%arg23 : memref<!tpu.dma_semaphore, #tpu.memory_space<semaphore_mem>>) src(%arg11 : memref<40x768xf32, #tpu.memory_space<vmem>>) dst(%dma_wait3A_195 : memref<40x768xf32, #tpu.memory_space<hbm>>)
      } else {
      }
      %add3A_94 = arith.constant 1 : i32
      %add3A_95 = arith.addi %add3A_88, %add3A_94 : i32
      %lt3A_96 = arith.constant 640 : i32
      %lt3A_97 = arith.cmpi slt, %add3A_95, %lt3A_96 : i32
      %convert_element_type3A_98 = arith.extui %lt3A_97 : i1 to i32
      %cond3A_99 = arith.constant 0 : i32
      %cond3A_100 = arith.cmpi ne, %convert_element_type3A_98, %cond3A_99 : i32
      scf.if %cond3A_100 {
        %dma_wait3A_190 = arith.constant 0 : i32
        %dma_wait3A_191 = tpu.memref_slice %arg2[%dma_wait3A_190] : memref<819200xi32, #tpu.memory_space<hbm>> -> memref<40xi32, #tpu.memory_space<hbm>>
        %dma_wait3A_192 = arith.constant 0 : i32
        %dma_wait3A_193 = tpu.memref_slice %arg2[%dma_wait3A_192] : memref<819200xi32, #tpu.memory_space<hbm>> -> memref<40xi32, #tpu.memory_space<hbm>>
        tpu.wait_dma2 semaphore(%arg15 : memref<!tpu.dma_semaphore, #tpu.memory_space<semaphore_mem>>) src(%dma_wait3A_193 : memref<40xi32, #tpu.memory_space<hbm>>) dst(%arg7 : memref<40xi32, #tpu.memory_space<vmem>>)
        %dma_start3A_194 = arith.constant 0 : i32
        %dma_start3A_195 = arith.constant 0 : i32
        %dma_start3A_196 = tpu.memref_slice %arg3[%dma_start3A_194, %dma_start3A_195] : memref<30522x768xf32, #tpu.memory_space<hbm>> -> memref<30522x768xf32, #tpu.memory_space<hbm>>
        tpu.enqueue_indirect_dma source(%dma_start3A_196 : memref<30522x768xf32, #tpu.memory_space<hbm>>) target(%arg11 : memref<40x768xf32, #tpu.memory_space<vmem>>) offsets(%arg7 : memref<40xi32, #tpu.memory_space<vmem>>) semaphore(%arg19 : memref<!tpu.dma_semaphore, #tpu.memory_space<semaphore_mem>>)
      } else {
      }
      %dma_wait3A_101 = arith.constant 0 : i32
      %dma_wait3A_102 = arith.constant 0 : i32
      %dma_wait3A_103 = tpu.memref_slice %arg3[%dma_wait3A_101, %dma_wait3A_102] : memref<30522x768xf32, #tpu.memory_space<hbm>> -> memref<30522x768xf32, #tpu.memory_space<hbm>>
      tpu.wait_indirect_dma semaphore(%arg18 : memref<!tpu.dma_semaphore, #tpu.memory_space<semaphore_mem>>) src(%dma_wait3A_103 : memref<30522x768xf32, #tpu.memory_space<hbm>>) dst(%arg10 : memref<40x768xf32, #tpu.memory_space<vmem>>)
      %add3A_104 = arith.constant 4 : i32
      %add3A_105 = arith.addi %add3A_88, %add3A_104 : i32
      %lt3A_106 = arith.constant 640 : i32
      %lt3A_107 = arith.cmpi slt, %add3A_105, %lt3A_106 : i32
      %convert_element_type3A_108 = arith.extui %lt3A_107 : i1 to i32
      %cond3A_109 = arith.constant 0 : i32
      %cond3A_110 = arith.cmpi ne, %convert_element_type3A_108, %cond3A_109 : i32
      scf.if %cond3A_110 {
        %add3A_190 = arith.constant 4 : i32
        %add3A_191 = arith.addi %add3A_88, %add3A_190 : i32
        %mul3A_192 = arith.constant 32 : i32
        %mul3A_193 = arith.muli %add3A_191, %mul3A_192 : i32
        %add3A_194 = arith.addi %add3A, %mul3A_193 : i32
        %mul3A_195 = arith.constant 40 : i32
        %mul3A_196 = arith.muli %add3A_194, %mul3A_195 : i32
        %dma_start3A_197 = tpu.memref_slice %arg2[%mul3A_196] : memref<819200xi32, #tpu.memory_space<hbm>> -> memref<40xi32, #tpu.memory_space<hbm>>
        %dma_start3A_198 = tpu.memref_slice %arg2[%mul3A_196] : memref<819200xi32, #tpu.memory_space<hbm>> -> memref<40xi32, #tpu.memory_space<hbm>>
        tpu.enqueue_dma source(%dma_start3A_198 : memref<40xi32, #tpu.memory_space<hbm>>) target(%arg6 : memref<40xi32, #tpu.memory_space<vmem>>) target_semaphore(%arg14 : memref<!tpu.dma_semaphore, #tpu.memory_space<semaphore_mem>>)
      } else {
      }
      %mul3A_111 = arith.constant 32 : i32
      %mul3A_112 = arith.muli %add3A_88, %mul3A_111 : i32
      %add3A_113 = arith.addi %add3A, %mul3A_112 : i32
      %mul3A_114 = arith.constant 40 : i32
      %mul3A_115 = arith.muli %add3A_113, %mul3A_114 : i32
      %dma_start3A_116 = arith.constant 0 : i32
      %dma_start3A_117 = tpu.memref_slice %arg4[%mul3A_115, %dma_start3A_116] : memref<819200x768xf32, #tpu.memory_space<hbm>> -> memref<40x768xf32, #tpu.memory_space<hbm>>
      %dma_start3A_118 = arith.constant 0 : i32
      %dma_start3A_119 = tpu.memref_slice %arg4[%mul3A_115, %dma_start3A_118] : memref<819200x768xf32, #tpu.memory_space<hbm>> -> memref<40x768xf32, #tpu.memory_space<hbm>>
      tpu.enqueue_dma source(%arg10 : memref<40x768xf32, #tpu.memory_space<vmem>>) target(%dma_start3A_119 : memref<40x768xf32, #tpu.memory_space<hbm>>) target_semaphore(%arg22 : memref<!tpu.dma_semaphore, #tpu.memory_space<semaphore_mem>>)
      %mul3A_120 = arith.constant 4 : i32
      %mul3A_121 = arith.muli %scan3A_53, %mul3A_120 : i32
      %add3A_122 = arith.constant 2 : i32
      %add3A_123 = arith.addi %mul3A_121, %add3A_122 : i32
      %ge3A_124 = arith.constant 3 : i32
      %ge3A_125 = arith.cmpi sge, %add3A_123, %ge3A_124 : i32
      %convert_element_type3A_126 = arith.extui %ge3A_125 : i1 to i32
      %cond3A_127 = arith.constant 0 : i32
      %cond3A_128 = arith.cmpi ne, %convert_element_type3A_126, %cond3A_127 : i32
      scf.if %cond3A_128 {
        %dma_wait3A_190 = arith.constant 0 : i32
        %dma_wait3A_191 = arith.constant 0 : i32
        %dma_wait3A_192 = tpu.memref_slice %arg4[%dma_wait3A_190, %dma_wait3A_191] : memref<819200x768xf32, #tpu.memory_space<hbm>> -> memref<40x768xf32, #tpu.memory_space<hbm>>
        %dma_wait3A_193 = arith.constant 0 : i32
        %dma_wait3A_194 = arith.constant 0 : i32
        %dma_wait3A_195 = tpu.memref_slice %arg4[%dma_wait3A_193, %dma_wait3A_194] : memref<819200x768xf32, #tpu.memory_space<hbm>> -> memref<40x768xf32, #tpu.memory_space<hbm>>
        tpu.wait_dma2 semaphore(%arg24 : memref<!tpu.dma_semaphore, #tpu.memory_space<semaphore_mem>>) src(%arg12 : memref<40x768xf32, #tpu.memory_space<vmem>>) dst(%dma_wait3A_195 : memref<40x768xf32, #tpu.memory_space<hbm>>)
      } else {
      }
      %add3A_129 = arith.constant 1 : i32
      %add3A_130 = arith.addi %add3A_123, %add3A_129 : i32
      %lt3A_131 = arith.constant 640 : i32
      %lt3A_132 = arith.cmpi slt, %add3A_130, %lt3A_131 : i32
      %convert_element_type3A_133 = arith.extui %lt3A_132 : i1 to i32
      %cond3A_134 = arith.constant 0 : i32
      %cond3A_135 = arith.cmpi ne, %convert_element_type3A_133, %cond3A_134 : i32
      scf.if %cond3A_135 {
        %dma_wait3A_190 = arith.constant 0 : i32
        %dma_wait3A_191 = tpu.memref_slice %arg2[%dma_wait3A_190] : memref<819200xi32, #tpu.memory_space<hbm>> -> memref<40xi32, #tpu.memory_space<hbm>>
        %dma_wait3A_192 = arith.constant 0 : i32
        %dma_wait3A_193 = tpu.memref_slice %arg2[%dma_wait3A_192] : memref<819200xi32, #tpu.memory_space<hbm>> -> memref<40xi32, #tpu.memory_space<hbm>>
        tpu.wait_dma2 semaphore(%arg16 : memref<!tpu.dma_semaphore, #tpu.memory_space<semaphore_mem>>) src(%dma_wait3A_193 : memref<40xi32, #tpu.memory_space<hbm>>) dst(%arg8 : memref<40xi32, #tpu.memory_space<vmem>>)
        %dma_start3A_194 = arith.constant 0 : i32
        %dma_start3A_195 = arith.constant 0 : i32
        %dma_start3A_196 = tpu.memref_slice %arg3[%dma_start3A_194, %dma_start3A_195] : memref<30522x768xf32, #tpu.memory_space<hbm>> -> memref<30522x768xf32, #tpu.memory_space<hbm>>
        tpu.enqueue_indirect_dma source(%dma_start3A_196 : memref<30522x768xf32, #tpu.memory_space<hbm>>) target(%arg12 : memref<40x768xf32, #tpu.memory_space<vmem>>) offsets(%arg8 : memref<40xi32, #tpu.memory_space<vmem>>) semaphore(%arg20 : memref<!tpu.dma_semaphore, #tpu.memory_space<semaphore_mem>>)
      } else {
      }
      %dma_wait3A_136 = arith.constant 0 : i32
      %dma_wait3A_137 = arith.constant 0 : i32
      %dma_wait3A_138 = tpu.memref_slice %arg3[%dma_wait3A_136, %dma_wait3A_137] : memref<30522x768xf32, #tpu.memory_space<hbm>> -> memref<30522x768xf32, #tpu.memory_space<hbm>>
      tpu.wait_indirect_dma semaphore(%arg19 : memref<!tpu.dma_semaphore, #tpu.memory_space<semaphore_mem>>) src(%dma_wait3A_138 : memref<30522x768xf32, #tpu.memory_space<hbm>>) dst(%arg11 : memref<40x768xf32, #tpu.memory_space<vmem>>)
      %add3A_139 = arith.constant 4 : i32
      %add3A_140 = arith.addi %add3A_123, %add3A_139 : i32
      %lt3A_141 = arith.constant 640 : i32
      %lt3A_142 = arith.cmpi slt, %add3A_140, %lt3A_141 : i32
      %convert_element_type3A_143 = arith.extui %lt3A_142 : i1 to i32
      %cond3A_144 = arith.constant 0 : i32
      %cond3A_145 = arith.cmpi ne, %convert_element_type3A_143, %cond3A_144 : i32
      scf.if %cond3A_145 {
        %add3A_190 = arith.constant 4 : i32
        %add3A_191 = arith.addi %add3A_123, %add3A_190 : i32
        %mul3A_192 = arith.constant 32 : i32
        %mul3A_193 = arith.muli %add3A_191, %mul3A_192 : i32
        %add3A_194 = arith.addi %add3A, %mul3A_193 : i32
        %mul3A_195 = arith.constant 40 : i32
        %mul3A_196 = arith.muli %add3A_194, %mul3A_195 : i32
        %dma_start3A_197 = tpu.memref_slice %arg2[%mul3A_196] : memref<819200xi32, #tpu.memory_space<hbm>> -> memref<40xi32, #tpu.memory_space<hbm>>
        %dma_start3A_198 = tpu.memref_slice %arg2[%mul3A_196] : memref<819200xi32, #tpu.memory_space<hbm>> -> memref<40xi32, #tpu.memory_space<hbm>>
        tpu.enqueue_dma source(%dma_start3A_198 : memref<40xi32, #tpu.memory_space<hbm>>) target(%arg7 : memref<40xi32, #tpu.memory_space<vmem>>) target_semaphore(%arg15 : memref<!tpu.dma_semaphore, #tpu.memory_space<semaphore_mem>>)
      } else {
      }
      %mul3A_146 = arith.constant 32 : i32
      %mul3A_147 = arith.muli %add3A_123, %mul3A_146 : i32
      %add3A_148 = arith.addi %add3A, %mul3A_147 : i32
      %mul3A_149 = arith.constant 40 : i32
      %mul3A_150 = arith.muli %add3A_148, %mul3A_149 : i32
      %dma_start3A_151 = arith.constant 0 : i32
      %dma_start3A_152 = tpu.memref_slice %arg4[%mul3A_150, %dma_start3A_151] : memref<819200x768xf32, #tpu.memory_space<hbm>> -> memref<40x768xf32, #tpu.memory_space<hbm>>
      %dma_start3A_153 = arith.constant 0 : i32
      %dma_start3A_154 = tpu.memref_slice %arg4[%mul3A_150, %dma_start3A_153] : memref<819200x768xf32, #tpu.memory_space<hbm>> -> memref<40x768xf32, #tpu.memory_space<hbm>>
      tpu.enqueue_dma source(%arg11 : memref<40x768xf32, #tpu.memory_space<vmem>>) target(%dma_start3A_154 : memref<40x768xf32, #tpu.memory_space<hbm>>) target_semaphore(%arg23 : memref<!tpu.dma_semaphore, #tpu.memory_space<semaphore_mem>>)
      %mul3A_155 = arith.constant 4 : i32
      %mul3A_156 = arith.muli %scan3A_53, %mul3A_155 : i32
      %add3A_157 = arith.constant 3 : i32
      %add3A_158 = arith.addi %mul3A_156, %add3A_157 : i32
      %ge3A_159 = arith.constant 3 : i32
      %ge3A_160 = arith.cmpi sge, %add3A_158, %ge3A_159 : i32
      %convert_element_type3A_161 = arith.extui %ge3A_160 : i1 to i32
      %cond3A_162 = arith.constant 0 : i32
      %cond3A_163 = arith.cmpi ne, %convert_element_type3A_161, %cond3A_162 : i32
      scf.if %cond3A_163 {
        %dma_wait3A_190 = arith.constant 0 : i32
        %dma_wait3A_191 = arith.constant 0 : i32
        %dma_wait3A_192 = tpu.memref_slice %arg4[%dma_wait3A_190, %dma_wait3A_191] : memref<819200x768xf32, #tpu.memory_space<hbm>> -> memref<40x768xf32, #tpu.memory_space<hbm>>
        %dma_wait3A_193 = arith.constant 0 : i32
        %dma_wait3A_194 = arith.constant 0 : i32
        %dma_wait3A_195 = tpu.memref_slice %arg4[%dma_wait3A_193, %dma_wait3A_194] : memref<819200x768xf32, #tpu.memory_space<hbm>> -> memref<40x768xf32, #tpu.memory_space<hbm>>
        tpu.wait_dma2 semaphore(%arg21 : memref<!tpu.dma_semaphore, #tpu.memory_space<semaphore_mem>>) src(%arg9 : memref<40x768xf32, #tpu.memory_space<vmem>>) dst(%dma_wait3A_195 : memref<40x768xf32, #tpu.memory_space<hbm>>)
      } else {
      }
      %add3A_164 = arith.constant 1 : i32
      %add3A_165 = arith.addi %add3A_158, %add3A_164 : i32
      %lt3A_166 = arith.constant 640 : i32
      %lt3A_167 = arith.cmpi slt, %add3A_165, %lt3A_166 : i32
      %convert_element_type3A_168 = arith.extui %lt3A_167 : i1 to i32
      %cond3A_169 = arith.constant 0 : i32
      %cond3A_170 = arith.cmpi ne, %convert_element_type3A_168, %cond3A_169 : i32
      scf.if %cond3A_170 {
        %dma_wait3A_190 = arith.constant 0 : i32
        %dma_wait3A_191 = tpu.memref_slice %arg2[%dma_wait3A_190] : memref<819200xi32, #tpu.memory_space<hbm>> -> memref<40xi32, #tpu.memory_space<hbm>>
        %dma_wait3A_192 = arith.constant 0 : i32
        %dma_wait3A_193 = tpu.memref_slice %arg2[%dma_wait3A_192] : memref<819200xi32, #tpu.memory_space<hbm>> -> memref<40xi32, #tpu.memory_space<hbm>>
        tpu.wait_dma2 semaphore(%arg13 : memref<!tpu.dma_semaphore, #tpu.memory_space<semaphore_mem>>) src(%dma_wait3A_193 : memref<40xi32, #tpu.memory_space<hbm>>) dst(%arg5 : memref<40xi32, #tpu.memory_space<vmem>>)
        %dma_start3A_194 = arith.constant 0 : i32
        %dma_start3A_195 = arith.constant 0 : i32
        %dma_start3A_196 = tpu.memref_slice %arg3[%dma_start3A_194, %dma_start3A_195] : memref<30522x768xf32, #tpu.memory_space<hbm>> -> memref<30522x768xf32, #tpu.memory_space<hbm>>
        tpu.enqueue_indirect_dma source(%dma_start3A_196 : memref<30522x768xf32, #tpu.memory_space<hbm>>) target(%arg9 : memref<40x768xf32, #tpu.memory_space<vmem>>) offsets(%arg5 : memref<40xi32, #tpu.memory_space<vmem>>) semaphore(%arg17 : memref<!tpu.dma_semaphore, #tpu.memory_space<semaphore_mem>>)
      } else {
      }
      %dma_wait3A_171 = arith.constant 0 : i32
      %dma_wait3A_172 = arith.constant 0 : i32
      %dma_wait3A_173 = tpu.memref_slice %arg3[%dma_wait3A_171, %dma_wait3A_172] : memref<30522x768xf32, #tpu.memory_space<hbm>> -> memref<30522x768xf32, #tpu.memory_space<hbm>>
      tpu.wait_indirect_dma semaphore(%arg20 : memref<!tpu.dma_semaphore, #tpu.memory_space<semaphore_mem>>) src(%dma_wait3A_173 : memref<30522x768xf32, #tpu.memory_space<hbm>>) dst(%arg12 : memref<40x768xf32, #tpu.memory_space<vmem>>)
      %add3A_174 = arith.constant 4 : i32
      %add3A_175 = arith.addi %add3A_158, %add3A_174 : i32
      %lt3A_176 = arith.constant 640 : i32
      %lt3A_177 = arith.cmpi slt, %add3A_175, %lt3A_176 : i32
      %convert_element_type3A_178 = arith.extui %lt3A_177 : i1 to i32
      %cond3A_179 = arith.constant 0 : i32
      %cond3A_180 = arith.cmpi ne, %convert_element_type3A_178, %cond3A_179 : i32
      scf.if %cond3A_180 {
        %add3A_190 = arith.constant 4 : i32
        %add3A_191 = arith.addi %add3A_158, %add3A_190 : i32
        %mul3A_192 = arith.constant 32 : i32
        %mul3A_193 = arith.muli %add3A_191, %mul3A_192 : i32
        %add3A_194 = arith.addi %add3A, %mul3A_193 : i32
        %mul3A_195 = arith.constant 40 : i32
        %mul3A_196 = arith.muli %add3A_194, %mul3A_195 : i32
        %dma_start3A_197 = tpu.memref_slice %arg2[%mul3A_196] : memref<819200xi32, #tpu.memory_space<hbm>> -> memref<40xi32, #tpu.memory_space<hbm>>
        %dma_start3A_198 = tpu.memref_slice %arg2[%mul3A_196] : memref<819200xi32, #tpu.memory_space<hbm>> -> memref<40xi32, #tpu.memory_space<hbm>>
        tpu.enqueue_dma source(%dma_start3A_198 : memref<40xi32, #tpu.memory_space<hbm>>) target(%arg8 : memref<40xi32, #tpu.memory_space<vmem>>) target_semaphore(%arg16 : memref<!tpu.dma_semaphore, #tpu.memory_space<semaphore_mem>>)
      } else {
      }
      %mul3A_181 = arith.constant 32 : i32
      %mul3A_182 = arith.muli %add3A_158, %mul3A_181 : i32
      %add3A_183 = arith.addi %add3A, %mul3A_182 : i32
      %mul3A_184 = arith.constant 40 : i32
      %mul3A_185 = arith.muli %add3A_183, %mul3A_184 : i32
      %dma_start3A_186 = arith.constant 0 : i32
      %dma_start3A_187 = tpu.memref_slice %arg4[%mul3A_185, %dma_start3A_186] : memref<819200x768xf32, #tpu.memory_space<hbm>> -> memref<40x768xf32, #tpu.memory_space<hbm>>
      %dma_start3A_188 = arith.constant 0 : i32
      %dma_start3A_189 = tpu.memref_slice %arg4[%mul3A_185, %dma_start3A_188] : memref<819200x768xf32, #tpu.memory_space<hbm>> -> memref<40x768xf32, #tpu.memory_space<hbm>>
      tpu.enqueue_dma source(%arg12 : memref<40x768xf32, #tpu.memory_space<vmem>>) target(%dma_start3A_189 : memref<40x768xf32, #tpu.memory_space<hbm>>) target_semaphore(%arg24 : memref<!tpu.dma_semaphore, #tpu.memory_space<semaphore_mem>>)
    }
    %scan3A_34 = arith.constant 160 : i32
    %dma_wait3A_35 = arith.constant 0 : i32
    %dma_wait3A_36 = arith.constant 0 : i32
    %dma_wait3A_37 = tpu.memref_slice %arg4[%dma_wait3A_35, %dma_wait3A_36] : memref<819200x768xf32, #tpu.memory_space<hbm>> -> memref<40x768xf32, #tpu.memory_space<hbm>>
    %dma_wait3A_38 = arith.constant 0 : i32
    %dma_wait3A_39 = arith.constant 0 : i32
    %dma_wait3A_40 = tpu.memref_slice %arg4[%dma_wait3A_38, %dma_wait3A_39] : memref<819200x768xf32, #tpu.memory_space<hbm>> -> memref<40x768xf32, #tpu.memory_space<hbm>>
    tpu.wait_dma2 semaphore(%arg22 : memref<!tpu.dma_semaphore, #tpu.memory_space<semaphore_mem>>) src(%arg10 : memref<40x768xf32, #tpu.memory_space<vmem>>) dst(%dma_wait3A_40 : memref<40x768xf32, #tpu.memory_space<hbm>>)
    %dma_wait3A_41 = arith.constant 0 : i32
    %dma_wait3A_42 = arith.constant 0 : i32
    %dma_wait3A_43 = tpu.memref_slice %arg4[%dma_wait3A_41, %dma_wait3A_42] : memref<819200x768xf32, #tpu.memory_space<hbm>> -> memref<40x768xf32, #tpu.memory_space<hbm>>
    %dma_wait3A_44 = arith.constant 0 : i32
    %dma_wait3A_45 = arith.constant 0 : i32
    %dma_wait3A_46 = tpu.memref_slice %arg4[%dma_wait3A_44, %dma_wait3A_45] : memref<819200x768xf32, #tpu.memory_space<hbm>> -> memref<40x768xf32, #tpu.memory_space<hbm>>
    tpu.wait_dma2 semaphore(%arg23 : memref<!tpu.dma_semaphore, #tpu.memory_space<semaphore_mem>>) src(%arg11 : memref<40x768xf32, #tpu.memory_space<vmem>>) dst(%dma_wait3A_46 : memref<40x768xf32, #tpu.memory_space<hbm>>)
    %dma_wait3A_47 = arith.constant 0 : i32
    %dma_wait3A_48 = arith.constant 0 : i32
    %dma_wait3A_49 = tpu.memref_slice %arg4[%dma_wait3A_47, %dma_wait3A_48] : memref<819200x768xf32, #tpu.memory_space<hbm>> -> memref<40x768xf32, #tpu.memory_space<hbm>>
    %dma_wait3A_50 = arith.constant 0 : i32
    %dma_wait3A_51 = arith.constant 0 : i32
    %dma_wait3A_52 = tpu.memref_slice %arg4[%dma_wait3A_50, %dma_wait3A_51] : memref<819200x768xf32, #tpu.memory_space<hbm>> -> memref<40x768xf32, #tpu.memory_space<hbm>>
    tpu.wait_dma2 semaphore(%arg24 : memref<!tpu.dma_semaphore, #tpu.memory_space<semaphore_mem>>) src(%arg12 : memref<40x768xf32, #tpu.memory_space<vmem>>) dst(%dma_wait3A_52 : memref<40x768xf32, #tpu.memory_space<hbm>>)
    return
  }
}

</mosaic_0001>

<sc_bundles>
// kernel: kernel.3.cloned.1.call-start
scs
__scs_entry_jumppad:
0x0: {  	(pc) =	sbr.rel $0x88, $3  }
0x1: {  	(tag) =	ssettag $0x0;
	lr =	simm.s32 $0x1  }
0x2: {  	[smem:$0x3F9F] =	sst lr;
	_ =	strace $0xD0000000  }
0x3: {  	_ = 	snop  }
0x4: {  	_ = 	snop  }
0x5: {  	_ = 	snop  }
0x6: {  	_ = 	snop  }
0x7: {  	_ = 	snop  }
__scs_overlays_trampoline_lowered:
0x8: {  	[smem:$0x3FAE] =	sst s0  }
0x9: {  	[smem:$0x3FAF] =	sst s1  }
0xa: {  	[smem:$0x3FB0] =	sst s2  }
0xb: {  	[smem:$0x3FB1] =	sst s3  }
0xc: {  	[smem:$0x3FB2] =	sst s4  }
0xd: {  	[smem:$0x3FB3] =	sst s5  }
0xe: {  	[smem:$0x3FB4] =	sst s6  }
0xf: {  	[smem:$0x3FB5] =	sst s7  }
0x10: {  	[smem:$0x3FB6] =	sst s8  }
0x11: {  	[smem:$0x3FB7] =	sst s9;
	s0 =	simm.s32 @!p0 $0x0  }
0x12: {  	s1 =	sld [smem:$0x3F9D];
	s0 =	simm.s32 @p0 $0x1  }
0x13: {  	[smem:$0x3FB8] =	sst s0;
	s0 =	simm.s32 @!p1 $0x0  }
0x14: {  	s2 =	sld [smem:$0x3F9C];
	s0 =	simm.s32 @p1 $0x1  }
0x15: {  	[smem:$0x3FB9] =	sst s0;
	s0 =	simm.s32 @!p2 $0x0  }
0x16: {  	s3 =	sld [smem:$0x3FDB];
	s0 =	simm.s32 @p2 $0x1  }
0x17: {  	s4 =	simm.s32 $0x1BF5;
	[smem:$0x3FBB] =	sst s0  }
0x18: {  	s0 =	sld [smem:$0x3F9E];
	_ =	swait.ge [sflag:s4], $0x0  }
0x19: {  	s7 =	sld [smem:$0x3F9F]  }
0x1a: {  	s8 =	sadd.s32 $0xFFFFE003, lr  }
0x1b: {  	s9 =	sadd.s32 $0xFFFFFEF7, lr;
	s5 =	simm.s32 $0xFFFFFFFF;
	p2 =	slt.u32 s8, $0xFFFFF086  }
0x1c: {  	p1 =	slt.u32 s9, $0xF7A;
	s5 =	simm.s32 @!p2 $0x0  }
0x1d: {  	s5 =	simm.s32 @p1 $0x1;
	p0 =	seq.s32 s7, s2  }
0x1e: {  	s7 =	smul.u32 @!p0 $0xF7A, s2;
	p2 =	seq.s32 @!p0 s5, $0x0  }
0x1f: {  	s9 =	smul.u32 $0xF7A, s1;
	s8 =	simm.s32 @!p0 $0x1BF5;
	p2 =	por !p2, p0  }
0x20: {  	[sflag:s8] =	ssyncset.s32 @!p0 $0xFFFFF086;
	s6 =	sadd.s32 @!p0 s3, s7;
	s7 =	simm.s32 @!p0 $0x108  }
0x21: {  	s3 =	sadd.s32 s3, s9;
	s6 =	sadd.s32 @!p0 $0x88, s6;
	s7 =	simm.s32 @p2 $0x1082  }
0x22: {  	[simem:s7], [sflag:s8] =	dma.local @!p0 [hbm:s6], $0xF7A  }
0x23: {  	s9 =	sor.u32 $0xD0000000, s2;
	s6 =	simm.s32 $0x108;
	_ =	swait.ge @!p0 [sflag:s8], $0x0  }
0x24: {  	s3 =	sadd.s32 $0x88, s3;
	s6 =	simm.s32 @!p1 $0x1082;
	[sflag:s4] =	ssyncset.s32 $0xFFFFF086  }
0x25: {  	[simem:s6], [sflag:s4] =	dma.local [hbm:s3], $0xF7A  }
0x26: {  	[smem:$0x3F9F] =	sst s1;
	(tag) =	ssettag s2;
	_ =	strace s9  }
0x27: {  	s1 =	sld [smem:$0x3FAF]  }
0x28: {  	s2 =	sld [smem:$0x3FB0]  }
0x29: {  	s4 =	sld [smem:$0x3FB2]  }
0x2a: {  	p0 =	seq.s32 s5, $0x0;
	s5 =	sld [smem:$0x3FB3]  }
0x2b: {  	s6 =	sld [smem:$0x3FB4]  }
0x2c: {  	s7 =	sld [smem:$0x3FB5]  }
0x2d: {  	s3 =	simm.s32 $0x108;
	s8 =	sld [smem:$0x3FB6]  }
0x2e: {  	s3 =	simm.s32 @!p0 $0x1082;
	s9 =	sld [smem:$0x3FB7]  }
0x2f: {  	lr =	sadd.s32 s0, s3;
	s0 =	sld [smem:$0x3FAE]  }
0x30: {  	s3 =	sld [smem:$0x3FB1]  }
0x31: {  	[smem:$0x3FBA] =	sst s10  }
0x32: {  	s10 =	sld [smem:$0x3FB8];
	_ =	sdelay $0x3  }
0x33: {  	p0 =	seq.s32 s10, $0x1;
	s10 =	sld [smem:$0x3FBA];
	_ =	sdelay $0x3  }
0x34: {  	[smem:$0x3FBA] =	sst s10  }
0x35: {  	s10 =	sld [smem:$0x3FB9];
	_ =	sdelay $0x3  }
0x36: {  	p1 =	seq.s32 s10, $0x1;
	s10 =	sld [smem:$0x3FBA];
	_ =	sdelay $0x3  }
0x37: {  	[smem:$0x3FBA] =	sst s10  }
0x38: {  	s10 =	sld [smem:$0x3FBB]  }
0x39: {  	_ = 	snop;
	(pc) =	sbr.ind lr, $3  }
0x3a: {  	_ = 	snop  }
0x3b: {  	_ = 	snop  }
0x3c: {  	p2 =	seq.s32 s10, $0x1;
	s10 =	sld [smem:$0x3FBA]  }
0x3d: {  	_ =	shalt  }
0x3e: {  	_ =	shalt  }
0x3f: {  	_ =	shalt  }
0x40: {  	_ =	shalt  }
0x41: {  	_ =	shalt  }
0x42: {  	_ =	shalt  }
0x43: {  	_ =	shalt  }
0x44: {  	_ =	shalt  }
0x45: {  	_ =	shalt  }
0x46: {  	_ =	shalt  }
0x47: {  	_ =	shalt  }
0x48: {  	_ =	shalt  }
0x49: {  	_ =	shalt  }
0x4a: {  	_ =	shalt  }
0x4b: {  	_ =	shalt  }
0x4c: {  	_ =	shalt  }
0x4d: {  	_ =	shalt  }
0x4e: {  	_ =	shalt  }
0x4f: {  	_ =	shalt  }
0x50: {  	_ =	shalt  }
0x51: {  	_ =	shalt  }
0x52: {  	_ =	shalt  }
0x53: {  	_ =	shalt  }
0x54: {  	_ =	shalt  }
0x55: {  	_ =	shalt  }
0x56: {  	_ =	shalt  }
0x57: {  	_ =	shalt  }
0x58: {  	_ =	shalt  }
0x59: {  	_ =	shalt  }
0x5a: {  	_ =	shalt  }
0x5b: {  	_ =	shalt  }
0x5c: {  	_ =	shalt  }
0x5d: {  	_ =	shalt  }
0x5e: {  	_ =	shalt  }
0x5f: {  	_ =	shalt  }
0x60: {  	_ =	shalt  }
0x61: {  	_ =	shalt  }
0x62: {  	_ =	shalt  }
0x63: {  	_ =	shalt  }
0x64: {  	_ =	shalt  }
0x65: {  	_ =	shalt  }
0x66: {  	_ =	shalt  }
0x67: {  	_ =	shalt  }
0x68: {  	_ =	shalt  }
0x69: {  	_ =	shalt  }
0x6a: {  	_ =	shalt  }
0x6b: {  	_ =	shalt  }
0x6c: {  	_ =	shalt  }
0x6d: {  	_ =	shalt  }
0x6e: {  	_ =	shalt  }
0x6f: {  	_ =	shalt  }
0x70: {  	_ =	shalt  }
0x71: {  	_ =	shalt  }
0x72: {  	_ =	shalt  }
0x73: {  	_ =	shalt  }
0x74: {  	_ =	shalt  }
0x75: {  	_ =	shalt  }
0x76: {  	_ =	shalt  }
0x77: {  	_ =	shalt  }
0x78: {  	_ =	shalt  }
0x79: {  	_ =	shalt  }
0x7a: {  	_ =	shalt  }
0x7b: {  	_ =	shalt  }
0x7c: {  	_ =	shalt  }
0x7d: {  	_ =	shalt  }
0x7e: {  	_ =	shalt  }
0x7f: {  	_ =	shalt  }
0x80: {  	_ =	shalt  }
0x81: {  	_ =	shalt  }
0x82: {  	_ =	shalt  }
0x83: {  	_ =	shalt  }
0x84: {  	_ =	shalt  }
0x85: {  	_ =	shalt  }
0x86: {  	_ =	shalt  }
0x87: {  	_ =	shalt  }
.Lfunc_end0:
.L_simem_size_0:
called_computation_lowered:
.L_overlay_start_0:
0x88: {  	s2 =	sld [smem:$0x3FD9]  }
0x89: {  	s3 =	sld [smem:$0x3FFE];
	_ =	sdelay $0x1  }
0x8a: {  	s1 =	srdreg.scid  }
0x8b: {  	s0 =	sand.u32 $0x1, s1  }
0x8c: {  	s17 =	sshll.u32 s0, $0xA;
	s2 =	sadd.s32 s3, s2  }
0x8d: {  	s2 =	sadd.s32 s2, s17  }
0x8e: {  	[smem:$0x3FC6] =	sst s2  }
0x8f: {  	_ = 	snop  }
0x90: {  	s2 =	sld [smem:$0x3FC8]  }
0x91: {  	s18 =	sld [smem:$0x3FD0];
	(tm) =	ssettm $0x1  }
0x92: {  	s4 =	sld [smem:$0x3FFB];
	_ =	sdelay $0x3  }
0x93: {  	_ =	strace s4  }
0x94: {  	s4 =	sld [smem:$0x3FFC];
	_ =	sdelay $0x3  }
0x95: {  	_ =	strace s4  }
0x96: {  	s4 =	sld [smem:$0x3FFD];
	_ =	sdelay $0x3  }
0x97: {  	_ =	strace s4  }
0x98: {  	_ =	strace $0x8FFFFFFF  }
0x99: {  	s19 =	sld [smem:$0x3FDB];
	_ =	sdelay $0x1  }
0x9a: {  	s5 =	simm.s32 $_scs_section_size  }
0x9b: {  	s6 =	simm.s32 $_size__tile_overlayer_lowered;
	s7 =	simm.s32 $_tile_overlayer_lowered  }
0x9c: {  	s22 =	simm.s32 $0x1BFF;
	s21 =	sshll.u32 s7, $0x1;
	s4 =	sadd.s32 s5, s19  }
0x9d: {  	s8 =	simm.s32 $0x0;
	s20 =	sshll.u32 s6, $0x1;
	s6 =	sadd.s32 s21, s4  }
0x9e: {  	[timem:s8], [sflag:s22] =	dma.local [hbm:s6], s20  }
0x9f: {  	_ =	swait.ge [sflag:s22], s20  }
0xa0: {  	s5 =	ssub.s32 $0x0, s20;
	[sflag:s22] =	ssyncset.done $0x0  }
0xa1: {  	[sflag:s22] =	ssyncadd.s32 s5;
	_ =	sdelay $0x1  }
0xa2: {  	s23 =	simm.s32 $0x1B8B  }
0xa3: {  	_ =	swait.ge [sflag:s23], $0x1  }
0xa4: {  	[sflag:s23] =	ssyncset.done $0x0  }
0xa5: {  	s25 =	simm.s32 $0x1B8E;
	s24 =	sld [smem:$0x3FFE];
	[sflag:s23] =	ssyncadd.s32 $0xFFFFFFFF  }
0xa6: {  	s26 =	simm.s32 $execute0_lowered;
	[smem:$0x3FD2] =	sst s25  }
0xa7: {  	s6 =	sshll.u32 s26, $0x1;
	_ =	strace $0x80000046;
	[dreg:$0x1] =	wrdreg $0xFFFFFFFF  }
0xa8: {  	s28 =	simm.s32 $_size_execute0_lowered;
	s4 =	sadd.s32 s4, s6;
	[dreg:$0x0] =	wrdreg $0x0  }
0xa9: {  	s6 =	sshll.u32 s28, $0x1;
	[dreg:$0x2] =	wrdreg s4  }
0xaa: {  	[dreg:$0x3] =	wrdreg s6  }
0xab: {  	[dreg:$0x4] =	wrdreg $0xC0  }
0xac: {  	_ =	task [dreg:s8], $0x5FFFF  }
0xad: {  	[dreg:$0x1] =	wrdreg $0xFFFFFFFF  }
0xae: {  	[dreg:$0x0] =	wrdreg $0x60  }
0xaf: {  	[dreg:$0x2] =	wrdreg s24  }
0xb0: {  	[dreg:$0x3] =	wrdreg s2  }
0xb1: {  	[dreg:$0x4] =	wrdreg s18  }
0xb2: {  	[dreg:$0x5] =	wrdreg $0x9  }
0xb3: {  	_ =	task.clear_ibuf [dreg:s8], $0x6FFFF;
	_ =	strace $0x90000046  }
0xb4: {  	s29 =	simm.s32 $0x9;
	_ =	strace $0x80000048  }
0xb5: {  	_ =	swait.ge [sflag:s29], $0x1  }
0xb6: {  	[sflag:s29] =	ssyncadd.s32 $0xFFFFFFFF  }
0xb7: {  	_ =	strace $0x90000048  }
0xb8: {  	_ =	sfence  }
0xb9: {  	s30 =	sld [smem:$0x0];
	_ =	sdelay $0x2  }
0xba: {  	s31 =	sshll.u32 s1, $0xD;
	s1 =	sshrl.u32 s1, $0x2  }
0xbb: {  	s3 =	sand.u32 $0x4000, s31;
	s1 =	sadd.s32 s1, s30  }
0xbc: {  	s0 =	sor.u32 s3, s0;
	s1 =	sshll.u32 s1, $0x11  }
0xbd: {  	s0 =	sor.u32 s1, s0  }
0xbe: {  	s0 =	sadd.s32 $0x8F2B, s0  }
0xbf: {  	[sflag:s0] =	ssyncadd.remote.s32 $0x1  }
0xc0: {  	_ =	sfence.sel $0xFFFF  }
0xc1: {  	[dreg:$0x0] =	wrdreg $0xFFFFFFFF;
	(pc) =	sbr.abs _section_cstart, $3  }
0xc2: {  	[dreg:$0x1] =	wrdreg $0xFFFFFFFF  }
0xc3: {  	_ =	task.clear_ibuf [dreg:s8], $0x2FFFF;
	_ =	strace $0x9FFFFFFF  }
0xc4: {  	(tm) =	ssettm $0x7FFFFFFF  }
0xc5: {  	_ =	shalt  }
tec
execute0_lowered:
.L_overlay_start_1:
0x0: {  	(tag) =	ssettag $0x1  }
0x1: {  	s0 =	rddreg [dreg:$0x0]  }
0x2: {  	s2 =	rddreg [dreg:$0x1];
	s1 =	srdreg.scid  }
0x3: {  	s9 =	stileid.u32;
	s4 =	rddreg [dreg:$0x2];
	s3 =	simm.s32 $0x0  }
0x4: {  	s16 =	simm.s32 $0x1;
	s17 =	simm.s32 $0x200;
	s13 =	simm.s32 $0x7A00  }
0x5: {  	s24 =	simm.s32 $0x5;
	s19 =	simm.s32 $0x6;
	s20 =	simm.s32 $0x4  }
0x6: {  	s21 =	simm.s32 $0x16A00;
	s12 =	simm.s32 $0x1D200;
	s14 =	simm.s32 $0x1DA00  }
0x7: {  	s15 =	simm.s32 $0x7;
	s18 =	simm.s32 $0x9;
	s22 =	simm.s32 $0x8  }
0x8: {  	s28 =	simm.s32 $0x0;
	s1 =	sand.u32 $0x1, s1;
	s26 =	smul.u32 $0x1E00, s9  }
0x9: {  	s5 =	sshll.u32 s9, $0x1;
	[smem:$0x7FF] =	sst s3;
	s10 =	smul.u32 $0xA, s9  }
0xa: {  	s0 =	sadd.s32 $0x400, s0;
	s9 =	sadd.s32 $0x200, s2;
	s31 =	smul.u32 $0x5, s1  }
0xb: {  	s5 =	sor.u32 s1, s5;
	s6 =	ssub.s32 $0x2, s1;
	s1 =	smul.u32 $0xF00, s1  }
0xc: {  	_ =	strace $0x80000047;
	s7 =	smul.u32 $0x28, s5;
	s8 =	sshrl.u32 s6, $0x1  }
0xd: {  	s5 =	smul.u32 $0x5, s5;
	s4 =	sadd.s32 s26, s4;
	s26 =	simm.s32 $0xF200  }
0xe: {  	s6 =	ssub.s32 s6, s8;
	s8 =	sadd.s32 $0x100, s2;
	s11 =	sadd.s32 s1, s4  }
0xf: {  	s4 =	simm.s32 $0x1AA00;
	s7 =	sshrl.u32 s7, $0x3;
	s5 =	sadd.s32 s0, s5  }
0x10: {  	s6 =	smax.u32 s6, $0x1;
	[dreg:$0x4] =	wrdreg s5;
	s25 =	sadd.s32 s0, s7  }
0x11: {  	s0 =	sadd.s32 s10, s0;
	[dreg:$0x8] =	wrdreg s6;
	s6 =	simm.s32 $0x1BA00  }
.Ltmp0:
0x12: {  	s7 =	simm.s32 $0x1C200;
	s29 =	sadd.s32 $0xA0, s25;
	(pc) =	sbr.rel .LBB2_1-.Ltmp0, $4  }
0x13: {  	s10 =	simm.s32 $0x1CA00;
	s30 =	sadd.s32 $0x140, s25;
	[dreg:$0x5] =	wrdreg s29  }
0x14: {  	v2 =	vlaneseq.u32;
	s5 =	sadd.s32 $0x1E0, s25;
	s0 =	sadd.s32 s31, s0;
	[dreg:$0x6] =	wrdreg s30  }
0x15: {  	vm0 =	vmmov $0xffff;
	v1 =	vshrl.u32 v2, $0x3;
	s25 =	simm.s32 $0x3;
	[dreg:$0x7] =	wrdreg s5;
	s0 =	sadd.s32 $0x460, s0  }
0x16: {  	v0 =	vand.u32 $0x7, v2;
	v2 =	vor.u32 $0x8, v2;
	v1 =	vmul.u32 $0x8, v1;
	s5 =	simm.s32 $0x1B200;
	[dreg:$0x9] =	wrdreg s0;
	s0 =	simm.s32 $0x2  }
.LBB2_6:
0x17: {  	s1 =	simm.s32 $0xA  }
0x18: {  	_ =	swait.ge [sflag:s1], $0x7800  }
0x19: {  	[sflag:s1] =	ssyncset.done $0x0  }
0x1a: {  	s30 =	simm.s32 $0xB;
	[sflag:s1] =	ssyncadd.s32 $0xFFFF8800  }
0x1b: {  	_ =	swait.ge [sflag:s30], $0x7800  }
0x1c: {  	[sflag:s30] =	ssyncset.done $0x0  }
0x1d: {  	s23 =	simm.s32 $0xC;
	[sflag:s30] =	ssyncadd.s32 $0xFFFF8800  }
0x1e: {  	_ =	swait.ge [sflag:s23], $0x7800  }
0x1f: {  	s28 =	rddreg [dreg:$0xa]  }
0x20: {  	s31 =	rddreg [dreg:$0x8];
	s28 =	sadd.s32 $0x1, s28  }
0x21: {  	p0 =	sne.s32 s28, s31  }
.Ltmp1:
0x22: {  	_ = 	snop;
	(pc) =	sbr.rel @!p0 .LBB2_7-.Ltmp1, $3  }
0x23: {  	_ =	sdelay $0x1  }
0x24: {  	[sflag:s23] =	ssyncset.done $0x0  }
0x25: {  	[sflag:s23] =	ssyncadd.s32 $0xFFFF8800  }
.LBB2_1:
0x26: {  	[dreg:$0xa] =	wrdreg s28  }
0x27: {  	s1 =	rddreg [dreg:$0x4]  }
0x28: {  	[tilespmem:s3], [sflag:$0x1] =	stream.linear.gather [hbm4b:s1+s3], $0x28, $0x38;
	[tilespmem:$0x1E200] =	vst v63  }
0x29: {  	s29 =	rddreg [dreg:$0x5];
	s23 =	simm.s32 $0x80  }
0x2a: {  	[tilespmem:s23], [sflag:$0x2] =	stream.linear.gather [hbm4b:s29+s3], $0x28, $0x38;
	[tilespmem:$0x1E200] =	vst v63  }
0x2b: {  	s30 =	rddreg [dreg:$0x6];
	s31 =	simm.s32 $0x100  }
0x2c: {  	[tilespmem:s31], [sflag:$0x3] =	stream.linear.gather [hbm4b:s30+s3], $0x28, $0x38;
	[tilespmem:$0x1E200] =	vst v63  }
0x2d: {  	s23 =	rddreg [dreg:$0x7];
	s29 =	simm.s32 $0x180  }
0x2e: {  	[tilespmem:s29], [sflag:$0x4] =	stream.linear.gather [hbm4b:s23+s3], $0x28, $0x38;
	[tilespmem:$0x1E200] =	vst v63  }
0x2f: {  	_ =	swait.ge [sflag:s16], $0x28  }
0x30: {  	[sflag:s16] =	ssyncset.done $0x0  }
0x31: {  	[sflag:s16] =	ssyncadd.s32 $0xFFFFFFD8  }
0x32: {  	v3 =	vld [tilespmem:$0x0];
	_ =	sdelay $0x4  }
0x33: {  	v4 =	vshrl.u32 v3, $0x3  }
0x34: {  	v4 =	vmul.u32 $0x30, v4  }
0x35: {  	v3 =	vand.u32 $0x7, v3  }
0x36: {  	v3 =	vor.u32 v3, v4  }
0x37: {  	v4 =	vperm.xlane v3, v0;
	_ =	sdelay $0x1  }
0x38: {  	v4 =	vadd.s32 v1, v4;
	_ =	sdelay $0x3  }
0x39: {  	v3 =	vperm.xlane v3, v2  }
0x3a: {  	[tilespmem:s17], [sflag:$0x5] =	stream.indirect_vreg.gather [hbm4b:s2+s3], $0x80, v4, vm0, $0xb8;
	[tilespmem:$0x1E200] =	vst v63  }
0x3b: {  	s30 =	simm.s32 $0xA00;
	v3 =	vadd.s32 v1, v3  }
0x3c: {  	[tilespmem:s30], [sflag:$0x5] =	stream.indirect_vreg.gather [hbm4b:s8+s3], $0x80, v4, vm0, $0xb8;
	[tilespmem:$0x1E200] =	vst v63  }
0x3d: {  	s31 =	simm.s32 $0x1200  }
0x3e: {  	[tilespmem:s31], [sflag:$0x5] =	stream.indirect_vreg.gather [hbm4b:s9+s3], $0x80, v4, vm0, $0xb8;
	[tilespmem:$0x1E200] =	vst v63  }
0x3f: {  	s23 =	simm.s32 $0x1A00  }
0x40: {  	[tilespmem:s23], [sflag:$0x5] =	stream.indirect_vreg.gather [hbm4b:s2+s3], $0x80, v3, vm0, $0xb8;
	[tilespmem:$0x1E200] =	vst v63  }
0x41: {  	s29 =	simm.s32 $0x2200  }
0x42: {  	[tilespmem:s29], [sflag:$0x5] =	stream.indirect_vreg.gather [hbm4b:s8+s3], $0x80, v3, vm0, $0xb8;
	[tilespmem:$0x1E200] =	vst v63  }
0x43: {  	s30 =	simm.s32 $0x2A00  }
0x44: {  	[tilespmem:s30], [sflag:$0x5] =	stream.indirect_vreg.gather [hbm4b:s9+s3], $0x80, v3, vm0, $0xb8;
	[tilespmem:$0x1E200] =	vst v63  }
0x45: {  	v3 =	vld [tilespmem:$0x10];
	_ =	sdelay $0x4  }
0x46: {  	v62 =	vshrl.u32 v3, $0x3  }
0x47: {  	v4 =	vmul.u32 $0x30, v62  }
0x48: {  	v3 =	vand.u32 $0x7, v3  }
0x49: {  	v3 =	vor.u32 v3, v4  }
0x4a: {  	v4 =	vperm.xlane v3, v0;
	_ =	sdelay $0x1  }
0x4b: {  	v4 =	vadd.s32 v1, v4;
	_ =	sdelay $0x3  }
0x4c: {  	s31 =	simm.s32 $0x3200;
	v3 =	vperm.xlane v3, v2  }
0x4d: {  	[tilespmem:s31], [sflag:$0x5] =	stream.indirect_vreg.gather [hbm4b:s2+s3], $0x80, v4, vm0, $0xb8;
	[tilespmem:$0x1E200] =	vst v63  }
0x4e: {  	s23 =	simm.s32 $0x3A00;
	v3 =	vadd.s32 v1, v3  }
0x4f: {  	[tilespmem:s23], [sflag:$0x5] =	stream.indirect_vreg.gather [hbm4b:s8+s3], $0x80, v4, vm0, $0xb8;
	[tilespmem:$0x1E200] =	vst v63  }
0x50: {  	s29 =	simm.s32 $0x4200  }
0x51: {  	[tilespmem:s29], [sflag:$0x5] =	stream.indirect_vreg.gather [hbm4b:s9+s3], $0x80, v4, vm0, $0xb8;
	[tilespmem:$0x1E200] =	vst v63  }
0x52: {  	s30 =	simm.s32 $0x4A00  }
0x53: {  	[tilespmem:s30], [sflag:$0x5] =	stream.indirect_vreg.gather [hbm4b:s2+s3], $0x80, v3, vm0, $0xb8;
	[tilespmem:$0x1E200] =	vst v63  }
0x54: {  	s31 =	simm.s32 $0x5200  }
0x55: {  	[tilespmem:s31], [sflag:$0x5] =	stream.indirect_vreg.gather [hbm4b:s8+s3], $0x80, v3, vm0, $0xb8;
	[tilespmem:$0x1E200] =	vst v63  }
0x56: {  	s23 =	simm.s32 $0x5A00  }
0x57: {  	[tilespmem:s23], [sflag:$0x5] =	stream.indirect_vreg.gather [hbm4b:s9+s3], $0x80, v3, vm0, $0xb8;
	[tilespmem:$0x1E200] =	vst v63  }
0x58: {  	v3 =	vld.msk [tilespmem:$0x20], $0xff;
	_ =	sdelay $0x4  }
0x59: {  	v63 =	vshrl.u32 v3, $0x3  }
0x5a: {  	v4 =	vmul.u32 $0x30, v63  }
0x5b: {  	v3 =	vand.u32 $0x7, v3  }
0x5c: {  	v3 =	vor.u32 v3, v4  }
0x5d: {  	v3 =	vperm.xlane v3, v0;
	_ =	sdelay $0x1  }
0x5e: {  	v3 =	vadd.s32 v1, v3;
	_ =	sdelay $0x3  }
0x5f: {  	s29 =	simm.s32 $0x6200  }
0x60: {  	[tilespmem:s29], [sflag:$0x5] =	stream.indirect_vreg.gather [hbm4b:s2+s3], $0x80, v3, vm0, $0xb8;
	[tilespmem:$0x1E200] =	vst v63  }
.Ltmp2:
0x61: {  	_ = 	snop;
	(pc) =	sbr.rel .LBB2_2-.Ltmp2, $4  }
0x62: {  	s30 =	simm.s32 $0x6A00  }
0x63: {  	[tilespmem:s30], [sflag:$0x5] =	stream.indirect_vreg.gather [hbm4b:s8+s3], $0x80, v3, vm0, $0xb8;
	[tilespmem:$0x1E200] =	vst v63  }
0x64: {  	s28 =	simm.s32 $0x0;
	s31 =	simm.s32 $0x7200;
	s23 =	rddreg [dreg:$0x9]  }
0x65: {  	[tilespmem:s31], [sflag:$0x5] =	stream.indirect_vreg.gather [hbm4b:s9+s3], $0x80, v3, vm0, $0xb8;
	[tilespmem:$0x1E200] =	vst v63  }
.LBB2_4:
0x66: {  	[hbm4b:s30+s3] =	stream.linear.scatter [tilespmem:s26], [sflag:$0xB], $0x7800, $0x38;
	[tilespmem:$0x1E200] =	vst v63  }
0x67: {  	_ =	swait.ge [sflag:s18], $0x7800  }
0x68: {  	[sflag:s18] =	ssyncset.done $0x0  }
0x69: {  	[sflag:s18] =	ssyncadd.s32 $0xFFFF8800  }
0x6a: {  	_ =	swait.ge [sflag:s22], $0x7800  }
0x6b: {  	[sflag:s22] =	ssyncset.done $0x0  }
0x6c: {  	[sflag:s22] =	ssyncadd.s32 $0xFFFF8800  }
.LBB2_5:
0x6d: {  	s28 =	sadd.s32 $0x78000, s28  }
0x6e: {  	p0 =	sne.s32 s28, $0x4B00000  }
.Ltmp3:
0x6f: {  	_ = 	snop;
	(pc) =	sbr.rel @!p0 .LBB2_6-.Ltmp3, $3  }
0x70: {  	_ =	sdelay $0x1  }
0x71: {  	s1 =	sadd.s32 $0x5A000, s29;
	s23 =	sadd.s32 $0x280, s23  }
0x72: {  	[hbm4b:s1+s3] =	stream.linear.scatter [tilespmem:s21], [sflag:$0xC], $0x7800, $0x38;
	[tilespmem:$0x1E200] =	vst v63  }
.LBB2_2:
0x73: {  	p0 =	seq.s32 s28, $0x0  }
0x74: {  	s29 =	simm.s32 @!p0 $0xA  }
0x75: {  	_ =	swait.ge @!p0 [sflag:s29], $0x7800  }
0x76: {  	[sflag:s29] =	ssyncset.done @!p0 $0x0  }
0x77: {  	[sflag:s29] =	ssyncadd.s32 @!p0 $0xFFFF8800  }
0x78: {  	_ =	swait.ge [sflag:s0], $0x28  }
0x79: {  	[sflag:s0] =	ssyncset.done $0x0  }
0x7a: {  	[sflag:s0] =	ssyncadd.s32 $0xFFFFFFD8  }
0x7b: {  	v3 =	vld [tilespmem:$0x80];
	_ =	sdelay $0x4  }
0x7c: {  	v4 =	vshrl.u32 v3, $0x3  }
0x7d: {  	v4 =	vmul.u32 $0x30, v4  }
0x7e: {  	v3 =	vand.u32 $0x7, v3  }
0x7f: {  	v3 =	vor.u32 v3, v4  }
0x80: {  	v4 =	vperm.xlane v3, v0;
	_ =	sdelay $0x1  }
0x81: {  	v4 =	vadd.s32 v1, v4;
	_ =	sdelay $0x3  }
0x82: {  	v3 =	vperm.xlane v3, v2  }
0x83: {  	[tilespmem:s13], [sflag:$0x6] =	stream.indirect_vreg.gather [hbm4b:s2+s3], $0x80, v4, vm0, $0xb8;
	[tilespmem:$0x1E200] =	vst v63  }
0x84: {  	s1 =	simm.s32 $0x8200;
	v3 =	vadd.s32 v1, v3  }
0x85: {  	[tilespmem:s1], [sflag:$0x6] =	stream.indirect_vreg.gather [hbm4b:s8+s3], $0x80, v4, vm0, $0xb8;
	[tilespmem:$0x1E200] =	vst v63  }
0x86: {  	s31 =	simm.s32 $0x8A00  }
0x87: {  	[tilespmem:s31], [sflag:$0x6] =	stream.indirect_vreg.gather [hbm4b:s9+s3], $0x80, v4, vm0, $0xb8;
	[tilespmem:$0x1E200] =	vst v63  }
0x88: {  	s31 =	simm.s32 $0x9200  }
0x89: {  	[tilespmem:s31], [sflag:$0x6] =	stream.indirect_vreg.gather [hbm4b:s2+s3], $0x80, v3, vm0, $0xb8;
	[tilespmem:$0x1E200] =	vst v63  }
0x8a: {  	s31 =	simm.s32 $0x9A00  }
0x8b: {  	[tilespmem:s31], [sflag:$0x6] =	stream.indirect_vreg.gather [hbm4b:s8+s3], $0x80, v3, vm0, $0xb8;
	[tilespmem:$0x1E200] =	vst v63  }
0x8c: {  	s31 =	simm.s32 $0xA200  }
0x8d: {  	[tilespmem:s31], [sflag:$0x6] =	stream.indirect_vreg.gather [hbm4b:s9+s3], $0x80, v3, vm0, $0xb8;
	[tilespmem:$0x1E200] =	vst v63  }
0x8e: {  	v3 =	vld [tilespmem:$0x90];
	_ =	sdelay $0x4  }
0x8f: {  	v56 =	vshrl.u32 v3, $0x3  }
0x90: {  	v4 =	vmul.u32 $0x30, v56  }
0x91: {  	v3 =	vand.u32 $0x7, v3  }
0x92: {  	v3 =	vor.u32 v3, v4  }
0x93: {  	v4 =	vperm.xlane v3, v0;
	_ =	sdelay $0x1  }
0x94: {  	v4 =	vadd.s32 v1, v4;
	_ =	sdelay $0x3  }
0x95: {  	s31 =	simm.s32 $0xAA00;
	v3 =	vperm.xlane v3, v2  }
0x96: {  	[tilespmem:s31], [sflag:$0x6] =	stream.indirect_vreg.gather [hbm4b:s2+s3], $0x80, v4, vm0, $0xb8;
	[tilespmem:$0x1E200] =	vst v63  }
0x97: {  	v3 =	vadd.s32 v1, v3;
	s31 =	simm.s32 $0xB200  }
0x98: {  	[tilespmem:s31], [sflag:$0x6] =	stream.indirect_vreg.gather [hbm4b:s8+s3], $0x80, v4, vm0, $0xb8;
	[tilespmem:$0x1E200] =	vst v63  }
0x99: {  	s31 =	simm.s32 $0xBA00  }
0x9a: {  	[tilespmem:s31], [sflag:$0x6] =	stream.indirect_vreg.gather [hbm4b:s9+s3], $0x80, v4, vm0, $0xb8;
	[tilespmem:$0x1E200] =	vst v63  }
0x9b: {  	s31 =	simm.s32 $0xC200  }
0x9c: {  	[tilespmem:s31], [sflag:$0x6] =	stream.indirect_vreg.gather [hbm4b:s2+s3], $0x80, v3, vm0, $0xb8;
	[tilespmem:$0x1E200] =	vst v63  }
0x9d: {  	s31 =	simm.s32 $0xCA00  }
0x9e: {  	[tilespmem:s31], [sflag:$0x6] =	stream.indirect_vreg.gather [hbm4b:s8+s3], $0x80, v3, vm0, $0xb8;
	[tilespmem:$0x1E200] =	vst v63  }
0x9f: {  	s31 =	simm.s32 $0xD200  }
0xa0: {  	[tilespmem:s31], [sflag:$0x6] =	stream.indirect_vreg.gather [hbm4b:s9+s3], $0x80, v3, vm0, $0xb8;
	[tilespmem:$0x1E200] =	vst v63  }
0xa1: {  	v3 =	vld.msk [tilespmem:$0xA0], $0xff;
	_ =	sdelay $0x4  }
0xa2: {  	v57 =	vshrl.u32 v3, $0x3  }
0xa3: {  	v4 =	vmul.u32 $0x30, v57  }
0xa4: {  	v3 =	vand.u32 $0x7, v3  }
0xa5: {  	v3 =	vor.u32 v3, v4  }
0xa6: {  	v3 =	vperm.xlane v3, v0;
	_ =	sdelay $0x1  }
0xa7: {  	v3 =	vadd.s32 v1, v3;
	_ =	sdelay $0x3  }
0xa8: {  	s31 =	simm.s32 $0xDA00  }
0xa9: {  	[tilespmem:s31], [sflag:$0x6] =	stream.indirect_vreg.gather [hbm4b:s2+s3], $0x80, v3, vm0, $0xb8;
	[tilespmem:$0x1E200] =	vst v63  }
0xaa: {  	s31 =	simm.s32 $0xE200  }
0xab: {  	[tilespmem:s31], [sflag:$0x6] =	stream.indirect_vreg.gather [hbm4b:s8+s3], $0x80, v3, vm0, $0xb8;
	[tilespmem:$0x1E200] =	vst v63  }
0xac: {  	s31 =	simm.s32 $0xEA00  }
0xad: {  	[tilespmem:s31], [sflag:$0x6] =	stream.indirect_vreg.gather [hbm4b:s9+s3], $0x80, v3, vm0, $0xb8;
	[tilespmem:$0x1E200] =	vst v63  }
0xae: {  	_ =	swait.ge [sflag:s24], $0x7800  }
0xaf: {  	p1 =	seq.s32 s28, $0x4A88000;
	[sflag:s24] =	ssyncset.done $0x0  }
0xb0: {  	s30 =	simm.s32 @!p1 $0x0;
	s29 =	sadd.s32 @!p1 $0xFFFFFE20, s23;
	[sflag:s24] =	ssyncadd.s32 $0xFFFF8800  }
0xb1: {  	[tilespmem:s30], [sflag:$0x1] =	stream.linear.gather @!p1 [hbm4b:s29+s30], $0x28, $0x38;
	[tilespmem:$0x1E200] =	vst v63  }
0xb2: {  	s31 =	simm.s32 @!p0 $0xB;
	s29 =	sadd.s32 s28, s11  }
0xb3: {  	[hbm4b:s29+s3] =	stream.linear.scatter [tilespmem:s17], [sflag:$0x9], $0x7800, $0x38;
	[tilespmem:$0x1E200] =	vst v63  }
0xb4: {  	_ =	swait.ge @!p0 [sflag:s31], $0x7800  }
0xb5: {  	[sflag:s31] =	ssyncset.done @!p0 $0x0  }
0xb6: {  	[sflag:s31] =	ssyncadd.s32 @!p0 $0xFFFF8800  }
0xb7: {  	_ =	swait.ge [sflag:s25], $0x28  }
0xb8: {  	[sflag:s25] =	ssyncset.done $0x0  }
0xb9: {  	[sflag:s25] =	ssyncadd.s32 $0xFFFFFFD8  }
0xba: {  	v3 =	vld [tilespmem:$0x100];
	_ =	sdelay $0x4  }
0xbb: {  	v58 =	vshrl.u32 v3, $0x3  }
0xbc: {  	v4 =	vmul.u32 $0x30, v58  }
0xbd: {  	v3 =	vand.u32 $0x7, v3  }
0xbe: {  	v3 =	vor.u32 v3, v4  }
0xbf: {  	v4 =	vperm.xlane v3, v0;
	_ =	sdelay $0x1  }
0xc0: {  	v4 =	vadd.s32 v1, v4;
	_ =	sdelay $0x3  }
0xc1: {  	v3 =	vperm.xlane v3, v2  }
0xc2: {  	[tilespmem:s26], [sflag:$0x7] =	stream.indirect_vreg.gather [hbm4b:s2+s3], $0x80, v4, vm0, $0xb8;
	[tilespmem:$0x1E200] =	vst v63  }
0xc3: {  	s31 =	simm.s32 $0xFA00;
	v3 =	vadd.s32 v1, v3  }
0xc4: {  	[tilespmem:s31], [sflag:$0x7] =	stream.indirect_vreg.gather [hbm4b:s8+s3], $0x80, v4, vm0, $0xb8;
	[tilespmem:$0x1E200] =	vst v63  }
0xc5: {  	s31 =	simm.s32 $0x10200  }
0xc6: {  	[tilespmem:s31], [sflag:$0x7] =	stream.indirect_vreg.gather [hbm4b:s9+s3], $0x80, v4, vm0, $0xb8;
	[tilespmem:$0x1E200] =	vst v63  }
0xc7: {  	s31 =	simm.s32 $0x10A00  }
0xc8: {  	[tilespmem:s31], [sflag:$0x7] =	stream.indirect_vreg.gather [hbm4b:s2+s3], $0x80, v3, vm0, $0xb8;
	[tilespmem:$0x1E200] =	vst v63  }
0xc9: {  	s31 =	simm.s32 $0x11200  }
0xca: {  	[tilespmem:s31], [sflag:$0x7] =	stream.indirect_vreg.gather [hbm4b:s8+s3], $0x80, v3, vm0, $0xb8;
	[tilespmem:$0x1E200] =	vst v63  }
0xcb: {  	s31 =	simm.s32 $0x11A00  }
0xcc: {  	[tilespmem:s31], [sflag:$0x7] =	stream.indirect_vreg.gather [hbm4b:s9+s3], $0x80, v3, vm0, $0xb8;
	[tilespmem:$0x1E200] =	vst v63  }
0xcd: {  	v3 =	vld [tilespmem:$0x110];
	_ =	sdelay $0x4  }
0xce: {  	v59 =	vshrl.u32 v3, $0x3  }
0xcf: {  	v4 =	vmul.u32 $0x30, v59  }
0xd0: {  	v3 =	vand.u32 $0x7, v3  }
0xd1: {  	v3 =	vor.u32 v3, v4  }
0xd2: {  	v4 =	vperm.xlane v3, v0;
	_ =	sdelay $0x1  }
0xd3: {  	v4 =	vadd.s32 v1, v4;
	_ =	sdelay $0x3  }
0xd4: {  	s31 =	simm.s32 $0x12200;
	v3 =	vperm.xlane v3, v2  }
0xd5: {  	[tilespmem:s31], [sflag:$0x7] =	stream.indirect_vreg.gather [hbm4b:s2+s3], $0x80, v4, vm0, $0xb8;
	[tilespmem:$0x1E200] =	vst v63  }
0xd6: {  	v3 =	vadd.s32 v1, v3;
	s31 =	simm.s32 $0x12A00  }
0xd7: {  	[tilespmem:s31], [sflag:$0x7] =	stream.indirect_vreg.gather [hbm4b:s8+s3], $0x80, v4, vm0, $0xb8;
	[tilespmem:$0x1E200] =	vst v63  }
0xd8: {  	s31 =	simm.s32 $0x13200  }
0xd9: {  	[tilespmem:s31], [sflag:$0x7] =	stream.indirect_vreg.gather [hbm4b:s9+s3], $0x80, v4, vm0, $0xb8;
	[tilespmem:$0x1E200] =	vst v63  }
0xda: {  	s31 =	simm.s32 $0x13A00  }
0xdb: {  	[tilespmem:s31], [sflag:$0x7] =	stream.indirect_vreg.gather [hbm4b:s2+s3], $0x80, v3, vm0, $0xb8;
	[tilespmem:$0x1E200] =	vst v63  }
0xdc: {  	s31 =	simm.s32 $0x14200  }
0xdd: {  	[tilespmem:s31], [sflag:$0x7] =	stream.indirect_vreg.gather [hbm4b:s8+s3], $0x80, v3, vm0, $0xb8;
	[tilespmem:$0x1E200] =	vst v63  }
0xde: {  	s31 =	simm.s32 $0x14A00  }
0xdf: {  	[tilespmem:s31], [sflag:$0x7] =	stream.indirect_vreg.gather [hbm4b:s9+s3], $0x80, v3, vm0, $0xb8;
	[tilespmem:$0x1E200] =	vst v63  }
0xe0: {  	v3 =	vld.msk [tilespmem:$0x120], $0xff;
	_ =	sdelay $0x4  }
0xe1: {  	v60 =	vshrl.u32 v3, $0x3  }
0xe2: {  	v4 =	vmul.u32 $0x30, v60  }
0xe3: {  	v3 =	vand.u32 $0x7, v3  }
0xe4: {  	v3 =	vor.u32 v3, v4  }
0xe5: {  	v3 =	vperm.xlane v3, v0;
	_ =	sdelay $0x1  }
0xe6: {  	v3 =	vadd.s32 v1, v3;
	_ =	sdelay $0x3  }
0xe7: {  	s31 =	simm.s32 $0x15200  }
0xe8: {  	[tilespmem:s31], [sflag:$0x7] =	stream.indirect_vreg.gather [hbm4b:s2+s3], $0x80, v3, vm0, $0xb8;
	[tilespmem:$0x1E200] =	vst v63  }
0xe9: {  	s31 =	simm.s32 $0x15A00  }
0xea: {  	[tilespmem:s31], [sflag:$0x7] =	stream.indirect_vreg.gather [hbm4b:s8+s3], $0x80, v3, vm0, $0xb8;
	[tilespmem:$0x1E200] =	vst v63  }
0xeb: {  	s31 =	simm.s32 $0x16200  }
0xec: {  	[tilespmem:s31], [sflag:$0x7] =	stream.indirect_vreg.gather [hbm4b:s9+s3], $0x80, v3, vm0, $0xb8;
	[tilespmem:$0x1E200] =	vst v63  }
0xed: {  	_ =	swait.ge [sflag:s19], $0x7800  }
0xee: {  	[sflag:s19] =	ssyncset.done $0x0  }
0xef: {  	s1 =	simm.s32 @!p1 $0x80;
	s31 =	sadd.s32 @!p1 $0xFFFFFEC0, s23;
	[sflag:s19] =	ssyncadd.s32 $0xFFFF8800  }
0xf0: {  	[tilespmem:s1], [sflag:$0x2] =	stream.linear.gather @!p1 [hbm4b:s31+s30], $0x28, $0x38;
	[tilespmem:$0x1E200] =	vst v63  }
0xf1: {  	s31 =	sadd.s32 $0x1E000, s29;
	s1 =	simm.s32 @!p0 $0xC  }
0xf2: {  	[hbm4b:s31+s3] =	stream.linear.scatter [tilespmem:s13], [sflag:$0xA], $0x7800, $0x38;
	[tilespmem:$0x1E200] =	vst v63  }
0xf3: {  	_ =	swait.ge @!p0 [sflag:s1], $0x7800  }
0xf4: {  	[sflag:s1] =	ssyncset.done @!p0 $0x0  }
0xf5: {  	[sflag:s1] =	ssyncadd.s32 @!p0 $0xFFFF8800  }
0xf6: {  	_ =	swait.ge [sflag:s20], $0x28  }
0xf7: {  	[sflag:s20] =	ssyncset.done $0x0  }
0xf8: {  	[sflag:s20] =	ssyncadd.s32 $0xFFFFFFD8  }
0xf9: {  	v3 =	vld [tilespmem:$0x180];
	_ =	sdelay $0x4  }
0xfa: {  	v61 =	vshrl.u32 v3, $0x3  }
0xfb: {  	v4 =	vmul.u32 $0x30, v61  }
0xfc: {  	v3 =	vand.u32 $0x7, v3  }
0xfd: {  	v3 =	vor.u32 v3, v4  }
0xfe: {  	v4 =	vperm.xlane v3, v0;
	_ =	sdelay $0x1  }
0xff: {  	v4 =	vadd.s32 v1, v4;
	_ =	sdelay $0x3  }
0x100: {  	v3 =	vperm.xlane v3, v2  }
0x101: {  	[tilespmem:s21], [sflag:$0x8] =	stream.indirect_vreg.gather [hbm4b:s2+s3], $0x80, v4, vm0, $0xb8;
	[tilespmem:$0x1E200] =	vst v63  }
0x102: {  	s31 =	simm.s32 $0x17200;
	v3 =	vadd.s32 v1, v3  }
0x103: {  	[tilespmem:s31], [sflag:$0x8] =	stream.indirect_vreg.gather [hbm4b:s8+s3], $0x80, v4, vm0, $0xb8;
	[tilespmem:$0x1E200] =	vst v63  }
0x104: {  	s31 =	simm.s32 $0x17A00  }
0x105: {  	[tilespmem:s31], [sflag:$0x8] =	stream.indirect_vreg.gather [hbm4b:s9+s3], $0x80, v4, vm0, $0xb8;
	[tilespmem:$0x1E200] =	vst v63  }
0x106: {  	s31 =	simm.s32 $0x18200  }
0x107: {  	[tilespmem:s31], [sflag:$0x8] =	stream.indirect_vreg.gather [hbm4b:s2+s3], $0x80, v3, vm0, $0xb8;
	[tilespmem:$0x1E200] =	vst v63  }
0x108: {  	s31 =	simm.s32 $0x18A00  }
0x109: {  	[tilespmem:s31], [sflag:$0x8] =	stream.indirect_vreg.gather [hbm4b:s8+s3], $0x80, v3, vm0, $0xb8;
	[tilespmem:$0x1E200] =	vst v63  }
0x10a: {  	s31 =	simm.s32 $0x19200  }
0x10b: {  	[tilespmem:s31], [sflag:$0x8] =	stream.indirect_vreg.gather [hbm4b:s9+s3], $0x80, v3, vm0, $0xb8;
	[tilespmem:$0x1E200] =	vst v63  }
0x10c: {  	v3 =	vld [tilespmem:$0x190];
	_ =	sdelay $0x4  }
0x10d: {  	v62 =	vshrl.u32 v3, $0x3  }
0x10e: {  	v4 =	vmul.u32 $0x30, v62  }
0x10f: {  	v3 =	vand.u32 $0x7, v3  }
0x110: {  	v3 =	vor.u32 v3, v4  }
0x111: {  	v4 =	vperm.xlane v3, v0;
	_ =	sdelay $0x1  }
0x112: {  	v4 =	vadd.s32 v1, v4;
	_ =	sdelay $0x3  }
0x113: {  	s31 =	simm.s32 $0x19A00;
	v3 =	vperm.xlane v3, v2  }
0x114: {  	[tilespmem:s31], [sflag:$0x8] =	stream.indirect_vreg.gather [hbm4b:s2+s3], $0x80, v4, vm0, $0xb8;
	[tilespmem:$0x1E200] =	vst v63  }
0x115: {  	v3 =	vadd.s32 v1, v3;
	s31 =	simm.s32 $0x1A200  }
0x116: {  	[tilespmem:s31], [sflag:$0x8] =	stream.indirect_vreg.gather [hbm4b:s8+s3], $0x80, v4, vm0, $0xb8;
	[tilespmem:$0x1E200] =	vst v63  }
0x117: {  	_ = 	snop  }
0x118: {  	[tilespmem:s4], [sflag:$0x8] =	stream.indirect_vreg.gather [hbm4b:s9+s3], $0x80, v4, vm0, $0xb8;
	[tilespmem:$0x1E200] =	vst v63  }
0x119: {  	_ = 	snop  }
0x11a: {  	[tilespmem:s5], [sflag:$0x8] =	stream.indirect_vreg.gather [hbm4b:s2+s3], $0x80, v3, vm0, $0xb8;
	[tilespmem:$0x1E200] =	vst v63  }
0x11b: {  	_ = 	snop  }
0x11c: {  	[tilespmem:s6], [sflag:$0x8] =	stream.indirect_vreg.gather [hbm4b:s8+s3], $0x80, v3, vm0, $0xb8;
	[tilespmem:$0x1E200] =	vst v63  }
0x11d: {  	_ = 	snop  }
0x11e: {  	[tilespmem:s7], [sflag:$0x8] =	stream.indirect_vreg.gather [hbm4b:s9+s3], $0x80, v3, vm0, $0xb8;
	[tilespmem:$0x1E200] =	vst v63  }
0x11f: {  	v3 =	vld.msk [tilespmem:$0x1A0], $0xff;
	_ =	sdelay $0x4  }
0x120: {  	v63 =	vshrl.u32 v3, $0x3  }
0x121: {  	v4 =	vmul.u32 $0x30, v63  }
0x122: {  	v3 =	vand.u32 $0x7, v3  }
0x123: {  	v3 =	vor.u32 v3, v4  }
0x124: {  	v3 =	vperm.xlane v3, v0;
	_ =	sdelay $0x1  }
0x125: {  	v3 =	vadd.s32 v1, v3;
	_ =	sdelay $0x4  }
0x126: {  	[tilespmem:s10], [sflag:$0x8] =	stream.indirect_vreg.gather [hbm4b:s2+s3], $0x80, v3, vm0, $0xb8;
	[tilespmem:$0x1E200] =	vst v63  }
0x127: {  	_ = 	snop  }
0x128: {  	[tilespmem:s12], [sflag:$0x8] =	stream.indirect_vreg.gather [hbm4b:s8+s3], $0x80, v3, vm0, $0xb8;
	[tilespmem:$0x1E200] =	vst v63  }
.Ltmp4:
0x129: {  	_ = 	snop;
	(pc) =	sbr.rel @p1 .LBB2_4-.Ltmp4, $4  }
0x12a: {  	[tilespmem:s14], [sflag:$0x8] =	stream.indirect_vreg.gather [hbm4b:s9+s3], $0x80, v3, vm0, $0xb8;
	[tilespmem:$0x1E200] =	vst v63  }
0x12b: {  	_ =	swait.ge [sflag:s15], $0x7800  }
0x12c: {  	[sflag:s15] =	ssyncset.done $0x0  }
0x12d: {  	s30 =	sadd.s32 $0x3C000, s29;
	[sflag:s15] =	ssyncadd.s32 $0xFFFF8800  }
0x12e: {  	s1 =	sadd.s32 $0xFFFFFF60, s23;
	s31 =	simm.s32 $0x100  }
0x12f: {  	[tilespmem:s31], [sflag:$0x3] =	stream.linear.gather [hbm4b:s1+s3], $0x28, $0x38;
	[tilespmem:$0x1E200] =	vst v63  }
0x130: {  	_ = 	snop  }
0x131: {  	[hbm4b:s30+s3] =	stream.linear.scatter [tilespmem:s26], [sflag:$0xB], $0x7800, $0x38;
	[tilespmem:$0x1E200] =	vst v63  }
0x132: {  	_ =	swait.ge [sflag:s18], $0x7800  }
0x133: {  	[sflag:s18] =	ssyncset.done $0x0  }
0x134: {  	[sflag:s18] =	ssyncadd.s32 $0xFFFF8800  }
0x135: {  	_ =	swait.ge [sflag:s16], $0x28  }
0x136: {  	[sflag:s16] =	ssyncset.done $0x0  }
0x137: {  	[sflag:s16] =	ssyncadd.s32 $0xFFFFFFD8  }
0x138: {  	v3 =	vld [tilespmem:$0x0];
	_ =	sdelay $0x4  }
0x139: {  	v4 =	vshrl.u32 v3, $0x3  }
0x13a: {  	v4 =	vmul.u32 $0x30, v4  }
0x13b: {  	v3 =	vand.u32 $0x7, v3  }
0x13c: {  	v3 =	vor.u32 v3, v4  }
0x13d: {  	v4 =	vperm.xlane v3, v0;
	_ =	sdelay $0x1  }
0x13e: {  	v4 =	vadd.s32 v1, v4;
	_ =	sdelay $0x3  }
0x13f: {  	v3 =	vperm.xlane v3, v2  }
0x140: {  	[tilespmem:s17], [sflag:$0x5] =	stream.indirect_vreg.gather [hbm4b:s2+s3], $0x80, v4, vm0, $0xb8;
	[tilespmem:$0x1E200] =	vst v63  }
0x141: {  	s31 =	simm.s32 $0xA00;
	v3 =	vadd.s32 v1, v3  }
0x142: {  	[tilespmem:s31], [sflag:$0x5] =	stream.indirect_vreg.gather [hbm4b:s8+s3], $0x80, v4, vm0, $0xb8;
	[tilespmem:$0x1E200] =	vst v63  }
0x143: {  	s30 =	simm.s32 $0x1200  }
0x144: {  	[tilespmem:s30], [sflag:$0x5] =	stream.indirect_vreg.gather [hbm4b:s9+s3], $0x80, v4, vm0, $0xb8;
	[tilespmem:$0x1E200] =	vst v63  }
0x145: {  	s31 =	simm.s32 $0x1A00  }
0x146: {  	[tilespmem:s31], [sflag:$0x5] =	stream.indirect_vreg.gather [hbm4b:s2+s3], $0x80, v3, vm0, $0xb8;
	[tilespmem:$0x1E200] =	vst v63  }
0x147: {  	s30 =	simm.s32 $0x2200  }
0x148: {  	[tilespmem:s30], [sflag:$0x5] =	stream.indirect_vreg.gather [hbm4b:s8+s3], $0x80, v3, vm0, $0xb8;
	[tilespmem:$0x1E200] =	vst v63  }
0x149: {  	s31 =	simm.s32 $0x2A00  }
0x14a: {  	[tilespmem:s31], [sflag:$0x5] =	stream.indirect_vreg.gather [hbm4b:s9+s3], $0x80, v3, vm0, $0xb8;
	[tilespmem:$0x1E200] =	vst v63  }
0x14b: {  	v3 =	vld [tilespmem:$0x10];
	_ =	sdelay $0x4  }
0x14c: {  	v62 =	vshrl.u32 v3, $0x3  }
0x14d: {  	v4 =	vmul.u32 $0x30, v62  }
0x14e: {  	v3 =	vand.u32 $0x7, v3  }
0x14f: {  	v3 =	vor.u32 v3, v4  }
0x150: {  	v4 =	vperm.xlane v3, v0;
	_ =	sdelay $0x1  }
0x151: {  	v4 =	vadd.s32 v1, v4;
	_ =	sdelay $0x3  }
0x152: {  	s30 =	simm.s32 $0x3200;
	v3 =	vperm.xlane v3, v2  }
0x153: {  	[tilespmem:s30], [sflag:$0x5] =	stream.indirect_vreg.gather [hbm4b:s2+s3], $0x80, v4, vm0, $0xb8;
	[tilespmem:$0x1E200] =	vst v63  }
0x154: {  	s31 =	simm.s32 $0x3A00;
	v3 =	vadd.s32 v1, v3  }
0x155: {  	[tilespmem:s31], [sflag:$0x5] =	stream.indirect_vreg.gather [hbm4b:s8+s3], $0x80, v4, vm0, $0xb8;
	[tilespmem:$0x1E200] =	vst v63  }
0x156: {  	s30 =	simm.s32 $0x4200  }
0x157: {  	[tilespmem:s30], [sflag:$0x5] =	stream.indirect_vreg.gather [hbm4b:s9+s3], $0x80, v4, vm0, $0xb8;
	[tilespmem:$0x1E200] =	vst v63  }
0x158: {  	s31 =	simm.s32 $0x4A00  }
0x159: {  	[tilespmem:s31], [sflag:$0x5] =	stream.indirect_vreg.gather [hbm4b:s2+s3], $0x80, v3, vm0, $0xb8;
	[tilespmem:$0x1E200] =	vst v63  }
0x15a: {  	s30 =	simm.s32 $0x5200  }
0x15b: {  	[tilespmem:s30], [sflag:$0x5] =	stream.indirect_vreg.gather [hbm4b:s8+s3], $0x80, v3, vm0, $0xb8;
	[tilespmem:$0x1E200] =	vst v63  }
0x15c: {  	s31 =	simm.s32 $0x5A00  }
0x15d: {  	[tilespmem:s31], [sflag:$0x5] =	stream.indirect_vreg.gather [hbm4b:s9+s3], $0x80, v3, vm0, $0xb8;
	[tilespmem:$0x1E200] =	vst v63  }
0x15e: {  	v3 =	vld.msk [tilespmem:$0x20], $0xff;
	_ =	sdelay $0x4  }
0x15f: {  	v63 =	vshrl.u32 v3, $0x3  }
0x160: {  	v4 =	vmul.u32 $0x30, v63  }
0x161: {  	v3 =	vand.u32 $0x7, v3  }
0x162: {  	v3 =	vor.u32 v3, v4  }
0x163: {  	v3 =	vperm.xlane v3, v0;
	_ =	sdelay $0x1  }
0x164: {  	v3 =	vadd.s32 v1, v3;
	_ =	sdelay $0x3  }
0x165: {  	s30 =	simm.s32 $0x6200  }
0x166: {  	[tilespmem:s30], [sflag:$0x5] =	stream.indirect_vreg.gather [hbm4b:s2+s3], $0x80, v3, vm0, $0xb8;
	[tilespmem:$0x1E200] =	vst v63  }
0x167: {  	s31 =	simm.s32 $0x6A00  }
0x168: {  	[tilespmem:s31], [sflag:$0x5] =	stream.indirect_vreg.gather [hbm4b:s8+s3], $0x80, v3, vm0, $0xb8;
	[tilespmem:$0x1E200] =	vst v63  }
0x169: {  	s30 =	simm.s32 $0x7200  }
0x16a: {  	[tilespmem:s30], [sflag:$0x5] =	stream.indirect_vreg.gather [hbm4b:s9+s3], $0x80, v3, vm0, $0xb8;
	[tilespmem:$0x1E200] =	vst v63  }
.Ltmp5:
0x16b: {  	_ = 	snop;
	(pc) =	sbr.rel .LBB2_5-.Ltmp5, $4  }
0x16c: {  	_ =	swait.ge [sflag:s22], $0x7800  }
0x16d: {  	[sflag:s22] =	ssyncset.done $0x0  }
0x16e: {  	s31 =	simm.s32 $0x180;
	[sflag:s22] =	ssyncadd.s32 $0xFFFF8800  }
0x16f: {  	[tilespmem:s31], [sflag:$0x4] =	stream.linear.gather [hbm4b:s23+s3], $0x28, $0x38;
	[tilespmem:$0x1E200] =	vst v63  }
.LBB2_7:
0x170: {  	_ =	sfence.sel $0x180000  }
0x171: {  	[bflag:$0x0] =	sbarrier.arrive $0xFFFF  }
0x172: {  	_ =	strace $0x90000047  }
0x173: {  	s0 =	stileid.u32;
	[bflag:$0x2] =	sbarrier.arrive $0xFFFF  }
0x174: {  	p0 =	sne.s32 s0, $0x0;
	s0 =	rddreg [dreg:$0x3]  }
0x175: {  	s0 =	sadd.s32 @!p0 $0x100000, s0  }
0x176: {  	[sflag:s0] =	ssyncadd.tile.s32 @!p0 $0x1;
	_ =	shalt  }
.Lfunc_end2:
_tile_overlayer_lowered:
.L_overlay_start_2:
0x177: {  	(tag) =	ssettag $0x2  }
0x178: {  	s0 =	rddreg [dreg:$0x0];
	s2 =	stileid.u32  }
0x179: {  	s1 =	rddreg [dreg:$0x1];
	p0 =	sne.s32 s2, $0x0  }
0x17a: {  	s3 =	rddreg [dreg:$0x2];
	[bflag:$0x3] =	sbarrier.arrive $0xFFFF;
	s2 =	simm.s32 @!p0 $0x1C0D  }
0x17b: {  	[timem:s3], [sflag:s2] =	dma.local @!p0 [hbm:s0], s1  }
0x17c: {  	s0 =	simm.s32 @!p0 $0xD  }
0x17d: {  	_ =	swait.ge @!p0 [sflag:s0], s1  }
0x17e: {  	s1 =	ssub.s32 @!p0 $0x0, s1;
	[sflag:s0] =	ssyncset.done @!p0 $0x0  }
0x17f: {  	[sflag:s0] =	ssyncadd.s32 @!p0 s1  }
0x180: {  	[bflag:$0x3] =	sbarrier.arrive $0xFFFF  }
0x181: {  	_ =	shalt  }

</sc_bundles>
